<compile_context>
chip_gen: v7x
topology: tpu7x:2x2x1
jax: 0.10.2.dev20260603
libtpu: 0.0.44.dev20260713+nightly
codegen_flags: <defaults>
</compile_context>

<pallas_src>
import functools

import jax
import jax.numpy as jnp
from jax import lax
from jax.experimental import pallas as pl
from jax.experimental.pallas import tpu as pltpu
from jax.experimental.pallas import tpu_sc as plsc

POOL = 8192
PLEN = 5
D = 768
TOPK = 8
BATCH = 1024
SEQ = 64
PROMPT_ROWS = TOPK * PLEN
TAIL = SEQ - PROMPT_ROWS

_NW = 32
_BPW = BATCH // _NW



def _l2norm(v):
    ss = jnp.sum(v ** 2, axis=1, keepdims=True)
    return v * lax.rsqrt(jnp.maximum(ss, 1e-12))


def _sim_body(x_ref, p_ref, o_ref):
    o_ref[...] = lax.dot_general(
        x_ref[...], p_ref[...],
        (((1,), (1,)), ((), ())),
        preferred_element_type=jnp.float32)


def _similarity(xn, pn):
    bt, pt = 256, 2048
    return pl.pallas_call(
        _sim_body,
        grid=(POOL // pt, BATCH // bt),
        in_specs=[pl.BlockSpec((bt, D), lambda j, i: (i, 0)),
                  pl.BlockSpec((pt, D), lambda j, i: (j, 0))],
        out_specs=pl.BlockSpec((bt, pt), lambda j, i: (i, j)),
        out_shape=jax.ShapeDtypeStruct((BATCH, POOL), jnp.float32),
    )(xn, pn)


def _topk_body(s_ref, idx_ref, psum_ref):
    bt = s_ref.shape[0]
    cols = lax.broadcasted_iota(jnp.int32, (bt, POOL), 1)
    cur = s_ref[...]
    ids = []
    tot = None
    for j in range(TOPK):
        m = jnp.max(cur, axis=1, keepdims=True)
        am = jnp.min(jnp.where(cur == m, cols, POOL), axis=1,
                     keepdims=True)
        ids.append(am)
        tot = m if tot is None else tot + m
        if j < TOPK - 1:
            cur = jnp.where(cols == am, -jnp.inf, cur)
    idx_ref[...] = jnp.concatenate(ids, axis=1)
    psum_ref[...] = jnp.sum(tot)[None, None, None]


def _topk(sim):
    bt = 256
    nt = BATCH // bt
    return pl.pallas_call(
        _topk_body,
        grid=(nt,),
        in_specs=[pl.BlockSpec((bt, POOL), lambda i: (i, 0))],
        out_specs=[pl.BlockSpec((bt, TOPK), lambda i: (i, 0)),
                   pl.BlockSpec((1, 1, 1), lambda i: (i, 0, 0))],
        out_shape=[jax.ShapeDtypeStruct((BATCH, TOPK), jnp.int32),
                   jax.ShapeDtypeStruct((nt, 1, 1), jnp.float32)],
    )(sim)



def _sc_assemble(x, prompt2, pn, idx40, idx8):
    mesh = plsc.VectorSubcoreMesh(core_axis_name="c", subcore_axis_name="s")

    @functools.partial(
        pl.kernel,
        out_type=[jax.ShapeDtypeStruct((BATCH, SEQ, D), jnp.float32),
                  jax.ShapeDtypeStruct((BATCH, TOPK, D), jnp.float32)],
        mesh=mesh,
        scratch_types=[pltpu.VMEM((_BPW, PROMPT_ROWS), jnp.int32),
                       pltpu.VMEM((_BPW, TOPK), jnp.int32),
                       pltpu.VMEM((PROMPT_ROWS, D), jnp.float32),
                       pltpu.VMEM((PROMPT_ROWS, D), jnp.float32),
                       pltpu.VMEM((TAIL, D), jnp.float32),
                       pltpu.VMEM((TAIL, D), jnp.float32),
                       pltpu.VMEM((TOPK, D), jnp.float32),
                       pltpu.VMEM((TOPK, D), jnp.float32),
                       pltpu.SemaphoreType.DMA,
                       pltpu.SemaphoreType.DMA],
    )
    def k(x_hbm, prompt_hbm, pn_hbm, i40_hbm, i8_hbm, out_hbm, bkn_hbm,
          i40_v, i8_v, pbuf_a, pbuf_b, tbuf_a, tbuf_b, kbuf_a, kbuf_b,
          gsem_a, gsem_b):
        wid = lax.axis_index("c") * 16 + lax.axis_index("s")
        base = wid * _BPW
        pltpu.sync_copy(i40_hbm.at[pl.ds(base, _BPW)], i40_v)
        pltpu.sync_copy(i8_hbm.at[pl.ds(base, _BPW)], i8_v)

        def start(bl, pbuf, tbuf, kbuf, gsem):
            b = base + bl
            pltpu.async_copy(prompt_hbm.at[i40_v.at[bl]], pbuf, gsem)
            pltpu.async_copy(x_hbm.at[b, pl.ds(PROMPT_ROWS, TAIL)],
                             tbuf, gsem)
            pltpu.async_copy(pn_hbm.at[i8_v.at[bl]], kbuf, gsem)

        def finish(bl, pbuf, tbuf, kbuf, gsem):
            b = base + bl
            pltpu.make_async_copy(
                prompt_hbm.at[pl.ds(0, PROMPT_ROWS)], pbuf, gsem).wait()
            pltpu.make_async_copy(
                x_hbm.at[0, pl.ds(PROMPT_ROWS, TAIL)], tbuf, gsem).wait()
            pltpu.make_async_copy(
                pn_hbm.at[pl.ds(0, TOPK)], kbuf, gsem).wait()
            pltpu.sync_copy(pbuf, out_hbm.at[b, pl.ds(0, PROMPT_ROWS)])
            pltpu.sync_copy(tbuf, out_hbm.at[b, pl.ds(PROMPT_ROWS, TAIL)])
            pltpu.sync_copy(kbuf, bkn_hbm.at[b])

        start(0, pbuf_a, tbuf_a, kbuf_a, gsem_a)

        @pl.loop(0, _BPW, step=2)
        def _(bl):
            start(bl + 1, pbuf_b, tbuf_b, kbuf_b, gsem_b)
            finish(bl, pbuf_a, tbuf_a, kbuf_a, gsem_a)

            @pl.when(bl + 2 < _BPW)
            def _():
                start(bl + 2, pbuf_a, tbuf_a, kbuf_a, gsem_a)

            finish(bl + 1, pbuf_b, tbuf_b, kbuf_b, gsem_b)

    return k(x, prompt2, pn, idx40, idx8)



def kernel(x_embed, prompt, prompt_key):
    xn = _l2norm(jnp.mean(x_embed, axis=1))
    pn = _l2norm(prompt_key)
    sim = _similarity(xn, pn)
    idx, psums = _topk(sim)
    reduce_sim = jnp.sum(psums) / BATCH
    idx40 = (idx[:, :, None]
             + POOL * jnp.arange(PLEN, dtype=jnp.int32)).reshape(
                 BATCH, PROMPT_ROWS)
    prompt2 = jnp.transpose(prompt, (1, 0, 2)).reshape(PLEN * POOL, D)
    out, bkn = _sc_assemble(x_embed, prompt2, pn, idx40, idx)
    return (out, reduce_sim, sim, idx, bkn)

# --- scband reference (transcript-rebuilt; emitter-appended) ---
"""Pipeline reference for scband-l2p-prompt-57277683859807 (READ-ONLY COPY).

The authoritative reference and input builder live on the scoring server;
editing this copy changes nothing except your own understanding.
"""

import jax, jax.numpy as jnp
import numpy as np

POOL_SIZE = 8192
LENGTH = 5
EMBED_DIM = 768
TOP_K = 8
BATCH = 1024
SEQ = 64


def setup_inputs(seed: int = 0) -> dict:
    key = jax.random.key(seed)
    k1, k2, k3 = jax.random.split(key, 3)
    x_embed = jax.random.normal(k1, (BATCH, SEQ, EMBED_DIM), dtype=jnp.float32)
    # learned parameters, init uniform(-1, 1) as in the torch module
    prompt = jax.random.uniform(k2, (POOL_SIZE, LENGTH, EMBED_DIM), dtype=jnp.float32, minval=-1.0, maxval=1.0)
    prompt_key = jax.random.uniform(k3, (POOL_SIZE, EMBED_DIM), dtype=jnp.float32, minval=-1.0, maxval=1.0)
    return {"x_embed": x_embed, "prompt": prompt, "prompt_key": prompt_key}


def _l2_normalize(x, axis, epsilon=1e-12):
    square_sum = jnp.sum(x ** 2, axis=axis, keepdims=True)
    x_inv_norm = jax.lax.rsqrt(jnp.maximum(square_sum, epsilon))
    return x * x_inv_norm


def reference(x_embed, prompt, prompt_key):
    # embedding_key == 'mean'
    x_embed_mean = jnp.mean(x_embed, axis=1)  # [B, C]
    prompt_norm = _l2_normalize(prompt_key, axis=1)       # [pool, C]
    x_embed_norm = _l2_normalize(x_embed_mean, axis=1)    # [B, C]
    similarity = jnp.matmul(x_embed_norm, prompt_norm.T)  # [B, pool]
    # prompt_mask is None, batchwise_prompt is False -> plain per-example topk
    _, idx = jax.lax.top_k(similarity, TOP_K)             # [B, top_k]
    batched_prompt_raw = jnp.take(prompt, idx, axis=0)    # [B, top_k, length, C]
    B, top_k, length, c = batched_prompt_raw.shape
    batched_prompt = batched_prompt_raw.reshape(B, top_k * length, c)
    batched_key_norm = jnp.take(prompt_norm, idx, axis=0)  # [B, top_k, C]
    x_embed_norm_e = x_embed_norm[:, None, :]
    sim = batched_key_norm * x_embed_norm_e
    reduce_sim = jnp.sum(sim) / x_embed.shape[0]
    total_prompt_len = batched_prompt.shape[1]
    prompted_embedding = x_embed.at[:, :total_prompt_len].set(batched_prompt)
    return (prompted_embedding, reduce_sim, similarity, idx, batched_key_norm)

if __name__ == "__main__":
    import jax
    _d = setup_inputs()
    print(jax.jit(kernel)(*tuple(_d.values())))

</pallas_src>

<mosaic_0001>
#map = affine_map<(d0, d1) -> (0, 0, 0)>
#map1 = affine_map<(d0, d1) -> (0, 0)>
module attributes {stable_mosaic.version = 14 : i64} {
  func.func @k(%arg0: i32, %arg1: i32, %arg2: memref<1024x64x768xf32, #tpu.memory_space<hbm>>, %arg3: memref<40960x768xf32, #tpu.memory_space<hbm>>, %arg4: memref<8192x768xf32, #tpu.memory_space<hbm>>, %arg5: memref<1024x40xi32, #tpu.memory_space<hbm>>, %arg6: memref<1024x8xi32, #tpu.memory_space<hbm>>, %arg7: memref<1024x64x768xf32, #tpu.memory_space<hbm>>, %arg8: memref<1024x8x768xf32, #tpu.memory_space<hbm>>, %arg9: memref<32x40xi32, #tpu.memory_space<vmem>>, %arg10: memref<32x8xi32, #tpu.memory_space<vmem>>, %arg11: memref<40x768xf32, #tpu.memory_space<vmem>>, %arg12: memref<40x768xf32, #tpu.memory_space<vmem>>, %arg13: memref<24x768xf32, #tpu.memory_space<vmem>>, %arg14: memref<24x768xf32, #tpu.memory_space<vmem>>, %arg15: memref<8x768xf32, #tpu.memory_space<vmem>>, %arg16: memref<8x768xf32, #tpu.memory_space<vmem>>, %arg17: memref<!tpu.dma_semaphore, #tpu.memory_space<semaphore_mem>>, %arg18: memref<!tpu.dma_semaphore, #tpu.memory_space<semaphore_mem>>) attributes {dimension_semantics = [#tpu.dimension_semantics<core_parallel>, #tpu.dimension_semantics<subcore_parallel>], iteration_bounds = array<i64: 2, 16>, scalar_prefetch = 0 : i64, scratch_operands = 10 : i64, tpu.core_type = #tpu.core_type<sc_vector_subcore>, window_params = [{transform_indices = #map}, {transform_indices = #map1}, {transform_indices = #map1}, {transform_indices = #map1}, {transform_indices = #map1}, {transform_indices = #map}, {transform_indices = #map}]} {
    %mul3A = arith.constant 16 : i32
    %mul3A_0 = arith.muli %arg0, %mul3A : i32
    %add3A = arith.addi %mul3A_0, %arg1 : i32
    %mul3A_1 = arith.constant 32 : i32
    %mul3A_2 = arith.muli %add3A, %mul3A_1 : i32
    "tpu.region"() ({
      %run_scoped3A = tpu.sem_alloc : memref<!tpu.dma_semaphore, #tpu.memory_space<semaphore_mem>>
      %dma_start3A_30 = arith.constant 0 : i32
      %dma_start3A_31 = tpu.memref_slice %arg5[%mul3A_2, %dma_start3A_30] : memref<1024x40xi32, #tpu.memory_space<hbm>> -> memref<32x40xi32, #tpu.memory_space<hbm>>
      %dma_start3A_32 = arith.constant 0 : i32
      %dma_start3A_33 = tpu.memref_slice %arg5[%mul3A_2, %dma_start3A_32] : memref<1024x40xi32, #tpu.memory_space<hbm>> -> memref<32x40xi32, #tpu.memory_space<hbm>>
      tpu.enqueue_dma source(%dma_start3A_33 : memref<32x40xi32, #tpu.memory_space<hbm>>) target(%arg9 : memref<32x40xi32, #tpu.memory_space<vmem>>) target_semaphore(%run_scoped3A : memref<!tpu.dma_semaphore, #tpu.memory_space<semaphore_mem>>)
      %dma_wait3A = arith.constant 0 : i32
      %dma_wait3A_34 = tpu.memref_slice %arg5[%mul3A_2, %dma_wait3A] : memref<1024x40xi32, #tpu.memory_space<hbm>> -> memref<32x40xi32, #tpu.memory_space<hbm>>
      %dma_wait3A_35 = arith.constant 0 : i32
      %dma_wait3A_36 = tpu.memref_slice %arg5[%mul3A_2, %dma_wait3A_35] : memref<1024x40xi32, #tpu.memory_space<hbm>> -> memref<32x40xi32, #tpu.memory_space<hbm>>
      tpu.wait_dma2 semaphore(%run_scoped3A : memref<!tpu.dma_semaphore, #tpu.memory_space<semaphore_mem>>) src(%dma_wait3A_36 : memref<32x40xi32, #tpu.memory_space<hbm>>) dst(%arg9 : memref<32x40xi32, #tpu.memory_space<vmem>>)
      tpu.yield
    }) : () -> ()
    "tpu.region"() ({
      %run_scoped3A = tpu.sem_alloc : memref<!tpu.dma_semaphore, #tpu.memory_space<semaphore_mem>>
      %dma_start3A_30 = arith.constant 0 : i32
      %dma_start3A_31 = tpu.memref_slice %arg6[%mul3A_2, %dma_start3A_30] : memref<1024x8xi32, #tpu.memory_space<hbm>> -> memref<32x8xi32, #tpu.memory_space<hbm>>
      %dma_start3A_32 = arith.constant 0 : i32
      %dma_start3A_33 = tpu.memref_slice %arg6[%mul3A_2, %dma_start3A_32] : memref<1024x8xi32, #tpu.memory_space<hbm>> -> memref<32x8xi32, #tpu.memory_space<hbm>>
      tpu.enqueue_dma source(%dma_start3A_33 : memref<32x8xi32, #tpu.memory_space<hbm>>) target(%arg10 : memref<32x8xi32, #tpu.memory_space<vmem>>) target_semaphore(%run_scoped3A : memref<!tpu.dma_semaphore, #tpu.memory_space<semaphore_mem>>)
      %dma_wait3A = arith.constant 0 : i32
      %dma_wait3A_34 = tpu.memref_slice %arg6[%mul3A_2, %dma_wait3A] : memref<1024x8xi32, #tpu.memory_space<hbm>> -> memref<32x8xi32, #tpu.memory_space<hbm>>
      %dma_wait3A_35 = arith.constant 0 : i32
      %dma_wait3A_36 = tpu.memref_slice %arg6[%mul3A_2, %dma_wait3A_35] : memref<1024x8xi32, #tpu.memory_space<hbm>> -> memref<32x8xi32, #tpu.memory_space<hbm>>
      tpu.wait_dma2 semaphore(%run_scoped3A : memref<!tpu.dma_semaphore, #tpu.memory_space<semaphore_mem>>) src(%dma_wait3A_36 : memref<32x8xi32, #tpu.memory_space<hbm>>) dst(%arg10 : memref<32x8xi32, #tpu.memory_space<vmem>>)
      tpu.yield
    }) : () -> ()
    %add3A_3 = arith.constant 0 : i32
    %add3A_4 = arith.addi %mul3A_2, %add3A_3 : i32
    %dma_start3A = arith.constant 0 : i32
    %dma_start3A_5 = arith.constant 0 : i32
    %dma_start3A_6 = tpu.memref_slice %arg9[%dma_start3A, %dma_start3A_5] : memref<32x40xi32, #tpu.memory_space<vmem>> -> memref<1x40xi32, #tpu.memory_space<vmem>>
    %dma_start3A_7 = tpu.memref_squeeze %dma_start3A_6 : memref<1x40xi32, #tpu.memory_space<vmem>> -> memref<40xi32, #tpu.memory_space<vmem>>
    %dma_start3A_8 = arith.constant 0 : i32
    %dma_start3A_9 = arith.constant 0 : i32
    %dma_start3A_10 = tpu.memref_slice %arg3[%dma_start3A_8, %dma_start3A_9] : memref<40960x768xf32, #tpu.memory_space<hbm>> -> memref<40960x768xf32, #tpu.memory_space<hbm>>
    tpu.enqueue_indirect_dma source(%dma_start3A_10 : memref<40960x768xf32, #tpu.memory_space<hbm>>) target(%arg11 : memref<40x768xf32, #tpu.memory_space<vmem>>) offsets(%dma_start3A_7 : memref<40xi32, #tpu.memory_space<vmem>>) semaphore(%arg17 : memref<!tpu.dma_semaphore, #tpu.memory_space<semaphore_mem>>)
    %dma_start3A_11 = arith.constant 40 : i32
    %dma_start3A_12 = arith.constant 0 : i32
    %dma_start3A_13 = tpu.memref_slice %arg2[%add3A_4, %dma_start3A_11, %dma_start3A_12] : memref<1024x64x768xf32, #tpu.memory_space<hbm>> -> memref<1x24x768xf32, #tpu.memory_space<hbm>>
    %dma_start3A_14 = tpu.memref_squeeze %dma_start3A_13 : memref<1x24x768xf32, #tpu.memory_space<hbm>> -> memref<24x768xf32, #tpu.memory_space<hbm>>
    %dma_start3A_15 = arith.constant 40 : i32
    %dma_start3A_16 = arith.constant 0 : i32
    %dma_start3A_17 = tpu.memref_slice %arg2[%add3A_4, %dma_start3A_15, %dma_start3A_16] : memref<1024x64x768xf32, #tpu.memory_space<hbm>> -> memref<1x24x768xf32, #tpu.memory_space<hbm>>
    %dma_start3A_18 = tpu.memref_squeeze %dma_start3A_17 : memref<1x24x768xf32, #tpu.memory_space<hbm>> -> memref<24x768xf32, #tpu.memory_space<hbm>>
    tpu.enqueue_dma source(%dma_start3A_18 : memref<24x768xf32, #tpu.memory_space<hbm>>) target(%arg13 : memref<24x768xf32, #tpu.memory_space<vmem>>) target_semaphore(%arg17 : memref<!tpu.dma_semaphore, #tpu.memory_space<semaphore_mem>>)
    %dma_start3A_19 = arith.constant 0 : i32
    %dma_start3A_20 = arith.constant 0 : i32
    %dma_start3A_21 = tpu.memref_slice %arg10[%dma_start3A_19, %dma_start3A_20] : memref<32x8xi32, #tpu.memory_space<vmem>> -> memref<1x8xi32, #tpu.memory_space<vmem>>
    %dma_start3A_22 = tpu.memref_squeeze %dma_start3A_21 : memref<1x8xi32, #tpu.memory_space<vmem>> -> memref<8xi32, #tpu.memory_space<vmem>>
    %dma_start3A_23 = arith.constant 0 : i32
    %dma_start3A_24 = arith.constant 0 : i32
    %dma_start3A_25 = tpu.memref_slice %arg4[%dma_start3A_23, %dma_start3A_24] : memref<8192x768xf32, #tpu.memory_space<hbm>> -> memref<8192x768xf32, #tpu.memory_space<hbm>>
    tpu.enqueue_indirect_dma source(%dma_start3A_25 : memref<8192x768xf32, #tpu.memory_space<hbm>>) target(%arg15 : memref<8x768xf32, #tpu.memory_space<vmem>>) offsets(%dma_start3A_22 : memref<8xi32, #tpu.memory_space<vmem>>) semaphore(%arg17 : memref<!tpu.dma_semaphore, #tpu.memory_space<semaphore_mem>>)
    %scan3A = arith.constant 0 : i32
    %scan3A_26 = arith.constant 16 : i32
    %scan3A_27 = arith.addi %scan3A, %scan3A_26 : i32
    %scan3A_28 = arith.constant 1 : i32
    scf.for %scan3A_30 = %scan3A to %scan3A_27 step %scan3A_28  : i32 {
      %mul3A_31 = arith.constant 2 : i32
      %mul3A_32 = arith.muli %scan3A_30, %mul3A_31 : i32
      %add3A_33 = arith.constant 0 : i32
      %add3A_34 = arith.addi %add3A_33, %mul3A_32 : i32
      %add3A_35 = arith.constant 1 : i32
      %add3A_36 = arith.addi %add3A_34, %add3A_35 : i32
      %add3A_37 = arith.addi %mul3A_2, %add3A_36 : i32
      %dma_start3A_38 = arith.constant 0 : i32
      %dma_start3A_39 = tpu.memref_slice %arg9[%add3A_36, %dma_start3A_38] : memref<32x40xi32, #tpu.memory_space<vmem>> -> memref<1x40xi32, #tpu.memory_space<vmem>>
      %dma_start3A_40 = tpu.memref_squeeze %dma_start3A_39 : memref<1x40xi32, #tpu.memory_space<vmem>> -> memref<40xi32, #tpu.memory_space<vmem>>
      %dma_start3A_41 = arith.constant 0 : i32
      %dma_start3A_42 = arith.constant 0 : i32
      %dma_start3A_43 = tpu.memref_slice %arg3[%dma_start3A_41, %dma_start3A_42] : memref<40960x768xf32, #tpu.memory_space<hbm>> -> memref<40960x768xf32, #tpu.memory_space<hbm>>
      tpu.enqueue_indirect_dma source(%dma_start3A_43 : memref<40960x768xf32, #tpu.memory_space<hbm>>) target(%arg12 : memref<40x768xf32, #tpu.memory_space<vmem>>) offsets(%dma_start3A_40 : memref<40xi32, #tpu.memory_space<vmem>>) semaphore(%arg18 : memref<!tpu.dma_semaphore, #tpu.memory_space<semaphore_mem>>)
      %dma_start3A_44 = arith.constant 40 : i32
      %dma_start3A_45 = arith.constant 0 : i32
      %dma_start3A_46 = tpu.memref_slice %arg2[%add3A_37, %dma_start3A_44, %dma_start3A_45] : memref<1024x64x768xf32, #tpu.memory_space<hbm>> -> memref<1x24x768xf32, #tpu.memory_space<hbm>>
      %dma_start3A_47 = tpu.memref_squeeze %dma_start3A_46 : memref<1x24x768xf32, #tpu.memory_space<hbm>> -> memref<24x768xf32, #tpu.memory_space<hbm>>
      %dma_start3A_48 = arith.constant 40 : i32
      %dma_start3A_49 = arith.constant 0 : i32
      %dma_start3A_50 = tpu.memref_slice %arg2[%add3A_37, %dma_start3A_48, %dma_start3A_49] : memref<1024x64x768xf32, #tpu.memory_space<hbm>> -> memref<1x24x768xf32, #tpu.memory_space<hbm>>
      %dma_start3A_51 = tpu.memref_squeeze %dma_start3A_50 : memref<1x24x768xf32, #tpu.memory_space<hbm>> -> memref<24x768xf32, #tpu.memory_space<hbm>>
      tpu.enqueue_dma source(%dma_start3A_51 : memref<24x768xf32, #tpu.memory_space<hbm>>) target(%arg14 : memref<24x768xf32, #tpu.memory_space<vmem>>) target_semaphore(%arg18 : memref<!tpu.dma_semaphore, #tpu.memory_space<semaphore_mem>>)
      %dma_start3A_52 = arith.constant 0 : i32
      %dma_start3A_53 = tpu.memref_slice %arg10[%add3A_36, %dma_start3A_52] : memref<32x8xi32, #tpu.memory_space<vmem>> -> memref<1x8xi32, #tpu.memory_space<vmem>>
      %dma_start3A_54 = tpu.memref_squeeze %dma_start3A_53 : memref<1x8xi32, #tpu.memory_space<vmem>> -> memref<8xi32, #tpu.memory_space<vmem>>
      %dma_start3A_55 = arith.constant 0 : i32
      %dma_start3A_56 = arith.constant 0 : i32
      %dma_start3A_57 = tpu.memref_slice %arg4[%dma_start3A_55, %dma_start3A_56] : memref<8192x768xf32, #tpu.memory_space<hbm>> -> memref<8192x768xf32, #tpu.memory_space<hbm>>
      tpu.enqueue_indirect_dma source(%dma_start3A_57 : memref<8192x768xf32, #tpu.memory_space<hbm>>) target(%arg16 : memref<8x768xf32, #tpu.memory_space<vmem>>) offsets(%dma_start3A_54 : memref<8xi32, #tpu.memory_space<vmem>>) semaphore(%arg18 : memref<!tpu.dma_semaphore, #tpu.memory_space<semaphore_mem>>)
      %add3A_58 = arith.addi %mul3A_2, %add3A_34 : i32
      %dma_wait3A = arith.constant 0 : i32
      %dma_wait3A_59 = arith.constant 0 : i32
      %dma_wait3A_60 = tpu.memref_slice %arg3[%dma_wait3A, %dma_wait3A_59] : memref<40960x768xf32, #tpu.memory_space<hbm>> -> memref<40x768xf32, #tpu.memory_space<hbm>>
      %dma_wait3A_61 = arith.constant 0 : i32
      %dma_wait3A_62 = arith.constant 0 : i32
      %dma_wait3A_63 = tpu.memref_slice %arg3[%dma_wait3A_61, %dma_wait3A_62] : memref<40960x768xf32, #tpu.memory_space<hbm>> -> memref<40x768xf32, #tpu.memory_space<hbm>>
      tpu.wait_dma2 semaphore(%arg17 : memref<!tpu.dma_semaphore, #tpu.memory_space<semaphore_mem>>) src(%dma_wait3A_63 : memref<40x768xf32, #tpu.memory_space<hbm>>) dst(%arg11 : memref<40x768xf32, #tpu.memory_space<vmem>>)
      %dma_wait3A_64 = arith.constant 0 : i32
      %dma_wait3A_65 = arith.constant 40 : i32
      %dma_wait3A_66 = arith.constant 0 : i32
      %dma_wait3A_67 = tpu.memref_slice %arg2[%dma_wait3A_64, %dma_wait3A_65, %dma_wait3A_66] : memref<1024x64x768xf32, #tpu.memory_space<hbm>> -> memref<1x24x768xf32, #tpu.memory_space<hbm>>
      %dma_wait3A_68 = tpu.memref_squeeze %dma_wait3A_67 : memref<1x24x768xf32, #tpu.memory_space<hbm>> -> memref<24x768xf32, #tpu.memory_space<hbm>>
      %dma_wait3A_69 = arith.constant 40 : i32
      %dma_wait3A_70 = arith.constant 0 : i32
      %dma_wait3A_71 = tpu.memref_slice %arg2[%dma_wait3A_64, %dma_wait3A_69, %dma_wait3A_70] : memref<1024x64x768xf32, #tpu.memory_space<hbm>> -> memref<1x24x768xf32, #tpu.memory_space<hbm>>
      %dma_wait3A_72 = tpu.memref_squeeze %dma_wait3A_71 : memref<1x24x768xf32, #tpu.memory_space<hbm>> -> memref<24x768xf32, #tpu.memory_space<hbm>>
      tpu.wait_dma2 semaphore(%arg17 : memref<!tpu.dma_semaphore, #tpu.memory_space<semaphore_mem>>) src(%dma_wait3A_72 : memref<24x768xf32, #tpu.memory_space<hbm>>) dst(%arg13 : memref<24x768xf32, #tpu.memory_space<vmem>>)
      %dma_wait3A_73 = arith.constant 0 : i32
      %dma_wait3A_74 = arith.constant 0 : i32
      %dma_wait3A_75 = tpu.memref_slice %arg4[%dma_wait3A_73, %dma_wait3A_74] : memref<8192x768xf32, #tpu.memory_space<hbm>> -> memref<8x768xf32, #tpu.memory_space<hbm>>
      %dma_wait3A_76 = arith.constant 0 : i32
      %dma_wait3A_77 = arith.constant 0 : i32
      %dma_wait3A_78 = tpu.memref_slice %arg4[%dma_wait3A_76, %dma_wait3A_77] : memref<8192x768xf32, #tpu.memory_space<hbm>> -> memref<8x768xf32, #tpu.memory_space<hbm>>
      tpu.wait_dma2 semaphore(%arg17 : memref<!tpu.dma_semaphore, #tpu.memory_space<semaphore_mem>>) src(%dma_wait3A_78 : memref<8x768xf32, #tpu.memory_space<hbm>>) dst(%arg15 : memref<8x768xf32, #tpu.memory_space<vmem>>)
      "tpu.region"() ({
        %run_scoped3A = tpu.sem_alloc : memref<!tpu.dma_semaphore, #tpu.memory_space<semaphore_mem>>
        %dma_start3A_107 = arith.constant 0 : i32
        %dma_start3A_108 = arith.constant 0 : i32
        %dma_start3A_109 = tpu.memref_slice %arg7[%add3A_58, %dma_start3A_107, %dma_start3A_108] : memref<1024x64x768xf32, #tpu.memory_space<hbm>> -> memref<1x40x768xf32, #tpu.memory_space<hbm>>
        %dma_start3A_110 = tpu.memref_squeeze %dma_start3A_109 : memref<1x40x768xf32, #tpu.memory_space<hbm>> -> memref<40x768xf32, #tpu.memory_space<hbm>>
        %dma_start3A_111 = arith.constant 0 : i32
        %dma_start3A_112 = arith.constant 0 : i32
        %dma_start3A_113 = tpu.memref_slice %arg7[%add3A_58, %dma_start3A_111, %dma_start3A_112] : memref<1024x64x768xf32, #tpu.memory_space<hbm>> -> memref<1x40x768xf32, #tpu.memory_space<hbm>>
        %dma_start3A_114 = tpu.memref_squeeze %dma_start3A_113 : memref<1x40x768xf32, #tpu.memory_space<hbm>> -> memref<40x768xf32, #tpu.memory_space<hbm>>
        tpu.enqueue_dma source(%arg11 : memref<40x768xf32, #tpu.memory_space<vmem>>) target(%dma_start3A_114 : memref<40x768xf32, #tpu.memory_space<hbm>>) target_semaphore(%run_scoped3A : memref<!tpu.dma_semaphore, #tpu.memory_space<semaphore_mem>>)
        %dma_wait3A_115 = arith.constant 0 : i32
        %dma_wait3A_116 = arith.constant 0 : i32
        %dma_wait3A_117 = tpu.memref_slice %arg7[%add3A_58, %dma_wait3A_115, %dma_wait3A_116] : memref<1024x64x768xf32, #tpu.memory_space<hbm>> -> memref<1x40x768xf32, #tpu.memory_space<hbm>>
        %dma_wait3A_118 = tpu.memref_squeeze %dma_wait3A_117 : memref<1x40x768xf32, #tpu.memory_space<hbm>> -> memref<40x768xf32, #tpu.memory_space<hbm>>
        %dma_wait3A_119 = arith.constant 0 : i32
        %dma_wait3A_120 = arith.constant 0 : i32
        %dma_wait3A_121 = tpu.memref_slice %arg7[%add3A_58, %dma_wait3A_119, %dma_wait3A_120] : memref<1024x64x768xf32, #tpu.memory_space<hbm>> -> memref<1x40x768xf32, #tpu.memory_space<hbm>>
        %dma_wait3A_122 = tpu.memref_squeeze %dma_wait3A_121 : memref<1x40x768xf32, #tpu.memory_space<hbm>> -> memref<40x768xf32, #tpu.memory_space<hbm>>
        tpu.wait_dma2 semaphore(%run_scoped3A : memref<!tpu.dma_semaphore, #tpu.memory_space<semaphore_mem>>) src(%arg11 : memref<40x768xf32, #tpu.memory_space<vmem>>) dst(%dma_wait3A_122 : memref<40x768xf32, #tpu.memory_space<hbm>>)
        tpu.yield
      }) : () -> ()
      "tpu.region"() ({
        %run_scoped3A = tpu.sem_alloc : memref<!tpu.dma_semaphore, #tpu.memory_space<semaphore_mem>>
        %dma_start3A_107 = arith.constant 40 : i32
        %dma_start3A_108 = arith.constant 0 : i32
        %dma_start3A_109 = tpu.memref_slice %arg7[%add3A_58, %dma_start3A_107, %dma_start3A_108] : memref<1024x64x768xf32, #tpu.memory_space<hbm>> -> memref<1x24x768xf32, #tpu.memory_space<hbm>>
        %dma_start3A_110 = tpu.memref_squeeze %dma_start3A_109 : memref<1x24x768xf32, #tpu.memory_space<hbm>> -> memref<24x768xf32, #tpu.memory_space<hbm>>
        %dma_start3A_111 = arith.constant 40 : i32
        %dma_start3A_112 = arith.constant 0 : i32
        %dma_start3A_113 = tpu.memref_slice %arg7[%add3A_58, %dma_start3A_111, %dma_start3A_112] : memref<1024x64x768xf32, #tpu.memory_space<hbm>> -> memref<1x24x768xf32, #tpu.memory_space<hbm>>
        %dma_start3A_114 = tpu.memref_squeeze %dma_start3A_113 : memref<1x24x768xf32, #tpu.memory_space<hbm>> -> memref<24x768xf32, #tpu.memory_space<hbm>>
        tpu.enqueue_dma source(%arg13 : memref<24x768xf32, #tpu.memory_space<vmem>>) target(%dma_start3A_114 : memref<24x768xf32, #tpu.memory_space<hbm>>) target_semaphore(%run_scoped3A : memref<!tpu.dma_semaphore, #tpu.memory_space<semaphore_mem>>)
        %dma_wait3A_115 = arith.constant 40 : i32
        %dma_wait3A_116 = arith.constant 0 : i32
        %dma_wait3A_117 = tpu.memref_slice %arg7[%add3A_58, %dma_wait3A_115, %dma_wait3A_116] : memref<1024x64x768xf32, #tpu.memory_space<hbm>> -> memref<1x24x768xf32, #tpu.memory_space<hbm>>
        %dma_wait3A_118 = tpu.memref_squeeze %dma_wait3A_117 : memref<1x24x768xf32, #tpu.memory_space<hbm>> -> memref<24x768xf32, #tpu.memory_space<hbm>>
        %dma_wait3A_119 = arith.constant 40 : i32
        %dma_wait3A_120 = arith.constant 0 : i32
        %dma_wait3A_121 = tpu.memref_slice %arg7[%add3A_58, %dma_wait3A_119, %dma_wait3A_120] : memref<1024x64x768xf32, #tpu.memory_space<hbm>> -> memref<1x24x768xf32, #tpu.memory_space<hbm>>
        %dma_wait3A_122 = tpu.memref_squeeze %dma_wait3A_121 : memref<1x24x768xf32, #tpu.memory_space<hbm>> -> memref<24x768xf32, #tpu.memory_space<hbm>>
        tpu.wait_dma2 semaphore(%run_scoped3A : memref<!tpu.dma_semaphore, #tpu.memory_space<semaphore_mem>>) src(%arg13 : memref<24x768xf32, #tpu.memory_space<vmem>>) dst(%dma_wait3A_122 : memref<24x768xf32, #tpu.memory_space<hbm>>)
        tpu.yield
      }) : () -> ()
      "tpu.region"() ({
        %run_scoped3A = tpu.sem_alloc : memref<!tpu.dma_semaphore, #tpu.memory_space<semaphore_mem>>
        %dma_start3A_107 = arith.constant 0 : i32
        %dma_start3A_108 = arith.constant 0 : i32
        %dma_start3A_109 = tpu.memref_slice %arg8[%add3A_58, %dma_start3A_107, %dma_start3A_108] : memref<1024x8x768xf32, #tpu.memory_space<hbm>> -> memref<1x8x768xf32, #tpu.memory_space<hbm>>
        %dma_start3A_110 = tpu.memref_squeeze %dma_start3A_109 : memref<1x8x768xf32, #tpu.memory_space<hbm>> -> memref<8x768xf32, #tpu.memory_space<hbm>>
        %dma_start3A_111 = arith.constant 0 : i32
        %dma_start3A_112 = arith.constant 0 : i32
        %dma_start3A_113 = tpu.memref_slice %arg8[%add3A_58, %dma_start3A_111, %dma_start3A_112] : memref<1024x8x768xf32, #tpu.memory_space<hbm>> -> memref<1x8x768xf32, #tpu.memory_space<hbm>>
        %dma_start3A_114 = tpu.memref_squeeze %dma_start3A_113 : memref<1x8x768xf32, #tpu.memory_space<hbm>> -> memref<8x768xf32, #tpu.memory_space<hbm>>
        tpu.enqueue_dma source(%arg15 : memref<8x768xf32, #tpu.memory_space<vmem>>) target(%dma_start3A_114 : memref<8x768xf32, #tpu.memory_space<hbm>>) target_semaphore(%run_scoped3A : memref<!tpu.dma_semaphore, #tpu.memory_space<semaphore_mem>>)
        %dma_wait3A_115 = arith.constant 0 : i32
        %dma_wait3A_116 = arith.constant 0 : i32
        %dma_wait3A_117 = tpu.memref_slice %arg8[%add3A_58, %dma_wait3A_115, %dma_wait3A_116] : memref<1024x8x768xf32, #tpu.memory_space<hbm>> -> memref<1x8x768xf32, #tpu.memory_space<hbm>>
        %dma_wait3A_118 = tpu.memref_squeeze %dma_wait3A_117 : memref<1x8x768xf32, #tpu.memory_space<hbm>> -> memref<8x768xf32, #tpu.memory_space<hbm>>
        %dma_wait3A_119 = arith.constant 0 : i32
        %dma_wait3A_120 = arith.constant 0 : i32
        %dma_wait3A_121 = tpu.memref_slice %arg8[%add3A_58, %dma_wait3A_119, %dma_wait3A_120] : memref<1024x8x768xf32, #tpu.memory_space<hbm>> -> memref<1x8x768xf32, #tpu.memory_space<hbm>>
        %dma_wait3A_122 = tpu.memref_squeeze %dma_wait3A_121 : memref<1x8x768xf32, #tpu.memory_space<hbm>> -> memref<8x768xf32, #tpu.memory_space<hbm>>
        tpu.wait_dma2 semaphore(%run_scoped3A : memref<!tpu.dma_semaphore, #tpu.memory_space<semaphore_mem>>) src(%arg15 : memref<8x768xf32, #tpu.memory_space<vmem>>) dst(%dma_wait3A_122 : memref<8x768xf32, #tpu.memory_space<hbm>>)
        tpu.yield
      }) : () -> ()
      %add3A_79 = arith.constant 2 : i32
      %add3A_80 = arith.addi %add3A_34, %add3A_79 : i32
      %lt3A = arith.constant 32 : i32
      %lt3A_81 = arith.cmpi slt, %add3A_80, %lt3A : i32
      %convert_element_type3A = arith.extui %lt3A_81 : i1 to i32
      %cond3A = arith.constant 0 : i32
      %cond3A_82 = arith.cmpi ne, %convert_element_type3A, %cond3A : i32
      scf.if %cond3A_82 {
        %add3A_107 = arith.constant 2 : i32
        %add3A_108 = arith.addi %add3A_34, %add3A_107 : i32
        %add3A_109 = arith.addi %mul3A_2, %add3A_108 : i32
        %dma_start3A_110 = arith.constant 0 : i32
        %dma_start3A_111 = tpu.memref_slice %arg9[%add3A_108, %dma_start3A_110] : memref<32x40xi32, #tpu.memory_space<vmem>> -> memref<1x40xi32, #tpu.memory_space<vmem>>
        %dma_start3A_112 = tpu.memref_squeeze %dma_start3A_111 : memref<1x40xi32, #tpu.memory_space<vmem>> -> memref<40xi32, #tpu.memory_space<vmem>>
        %dma_start3A_113 = arith.constant 0 : i32
        %dma_start3A_114 = arith.constant 0 : i32
        %dma_start3A_115 = tpu.memref_slice %arg3[%dma_start3A_113, %dma_start3A_114] : memref<40960x768xf32, #tpu.memory_space<hbm>> -> memref<40960x768xf32, #tpu.memory_space<hbm>>
        tpu.enqueue_indirect_dma source(%dma_start3A_115 : memref<40960x768xf32, #tpu.memory_space<hbm>>) target(%arg11 : memref<40x768xf32, #tpu.memory_space<vmem>>) offsets(%dma_start3A_112 : memref<40xi32, #tpu.memory_space<vmem>>) semaphore(%arg17 : memref<!tpu.dma_semaphore, #tpu.memory_space<semaphore_mem>>)
        %dma_start3A_116 = arith.constant 40 : i32
        %dma_start3A_117 = arith.constant 0 : i32
        %dma_start3A_118 = tpu.memref_slice %arg2[%add3A_109, %dma_start3A_116, %dma_start3A_117] : memref<1024x64x768xf32, #tpu.memory_space<hbm>> -> memref<1x24x768xf32, #tpu.memory_space<hbm>>
        %dma_start3A_119 = tpu.memref_squeeze %dma_start3A_118 : memref<1x24x768xf32, #tpu.memory_space<hbm>> -> memref<24x768xf32, #tpu.memory_space<hbm>>
        %dma_start3A_120 = arith.constant 40 : i32
        %dma_start3A_121 = arith.constant 0 : i32
        %dma_start3A_122 = tpu.memref_slice %arg2[%add3A_109, %dma_start3A_120, %dma_start3A_121] : memref<1024x64x768xf32, #tpu.memory_space<hbm>> -> memref<1x24x768xf32, #tpu.memory_space<hbm>>
        %dma_start3A_123 = tpu.memref_squeeze %dma_start3A_122 : memref<1x24x768xf32, #tpu.memory_space<hbm>> -> memref<24x768xf32, #tpu.memory_space<hbm>>
        tpu.enqueue_dma source(%dma_start3A_123 : memref<24x768xf32, #tpu.memory_space<hbm>>) target(%arg13 : memref<24x768xf32, #tpu.memory_space<vmem>>) target_semaphore(%arg17 : memref<!tpu.dma_semaphore, #tpu.memory_space<semaphore_mem>>)
        %dma_start3A_124 = arith.constant 0 : i32
        %dma_start3A_125 = tpu.memref_slice %arg10[%add3A_108, %dma_start3A_124] : memref<32x8xi32, #tpu.memory_space<vmem>> -> memref<1x8xi32, #tpu.memory_space<vmem>>
        %dma_start3A_126 = tpu.memref_squeeze %dma_start3A_125 : memref<1x8xi32, #tpu.memory_space<vmem>> -> memref<8xi32, #tpu.memory_space<vmem>>
        %dma_start3A_127 = arith.constant 0 : i32
        %dma_start3A_128 = arith.constant 0 : i32
        %dma_start3A_129 = tpu.memref_slice %arg4[%dma_start3A_127, %dma_start3A_128] : memref<8192x768xf32, #tpu.memory_space<hbm>> -> memref<8192x768xf32, #tpu.memory_space<hbm>>
        tpu.enqueue_indirect_dma source(%dma_start3A_129 : memref<8192x768xf32, #tpu.memory_space<hbm>>) target(%arg15 : memref<8x768xf32, #tpu.memory_space<vmem>>) offsets(%dma_start3A_126 : memref<8xi32, #tpu.memory_space<vmem>>) semaphore(%arg17 : memref<!tpu.dma_semaphore, #tpu.memory_space<semaphore_mem>>)
      } else {
      }
      %add3A_83 = arith.constant 1 : i32
      %add3A_84 = arith.addi %add3A_34, %add3A_83 : i32
      %add3A_85 = arith.addi %mul3A_2, %add3A_84 : i32
      %dma_wait3A_86 = arith.constant 0 : i32
      %dma_wait3A_87 = arith.constant 0 : i32
      %dma_wait3A_88 = tpu.memref_slice %arg3[%dma_wait3A_86, %dma_wait3A_87] : memref<40960x768xf32, #tpu.memory_space<hbm>> -> memref<40x768xf32, #tpu.memory_space<hbm>>
      %dma_wait3A_89 = arith.constant 0 : i32
      %dma_wait3A_90 = arith.constant 0 : i32
      %dma_wait3A_91 = tpu.memref_slice %arg3[%dma_wait3A_89, %dma_wait3A_90] : memref<40960x768xf32, #tpu.memory_space<hbm>> -> memref<40x768xf32, #tpu.memory_space<hbm>>
      tpu.wait_dma2 semaphore(%arg18 : memref<!tpu.dma_semaphore, #tpu.memory_space<semaphore_mem>>) src(%dma_wait3A_91 : memref<40x768xf32, #tpu.memory_space<hbm>>) dst(%arg12 : memref<40x768xf32, #tpu.memory_space<vmem>>)
      %dma_wait3A_92 = arith.constant 0 : i32
      %dma_wait3A_93 = arith.constant 40 : i32
      %dma_wait3A_94 = arith.constant 0 : i32
      %dma_wait3A_95 = tpu.memref_slice %arg2[%dma_wait3A_92, %dma_wait3A_93, %dma_wait3A_94] : memref<1024x64x768xf32, #tpu.memory_space<hbm>> -> memref<1x24x768xf32, #tpu.memory_space<hbm>>
      %dma_wait3A_96 = tpu.memref_squeeze %dma_wait3A_95 : memref<1x24x768xf32, #tpu.memory_space<hbm>> -> memref<24x768xf32, #tpu.memory_space<hbm>>
      %dma_wait3A_97 = arith.constant 40 : i32
      %dma_wait3A_98 = arith.constant 0 : i32
      %dma_wait3A_99 = tpu.memref_slice %arg2[%dma_wait3A_92, %dma_wait3A_97, %dma_wait3A_98] : memref<1024x64x768xf32, #tpu.memory_space<hbm>> -> memref<1x24x768xf32, #tpu.memory_space<hbm>>
      %dma_wait3A_100 = tpu.memref_squeeze %dma_wait3A_99 : memref<1x24x768xf32, #tpu.memory_space<hbm>> -> memref<24x768xf32, #tpu.memory_space<hbm>>
      tpu.wait_dma2 semaphore(%arg18 : memref<!tpu.dma_semaphore, #tpu.memory_space<semaphore_mem>>) src(%dma_wait3A_100 : memref<24x768xf32, #tpu.memory_space<hbm>>) dst(%arg14 : memref<24x768xf32, #tpu.memory_space<vmem>>)
      %dma_wait3A_101 = arith.constant 0 : i32
      %dma_wait3A_102 = arith.constant 0 : i32
      %dma_wait3A_103 = tpu.memref_slice %arg4[%dma_wait3A_101, %dma_wait3A_102] : memref<8192x768xf32, #tpu.memory_space<hbm>> -> memref<8x768xf32, #tpu.memory_space<hbm>>
      %dma_wait3A_104 = arith.constant 0 : i32
      %dma_wait3A_105 = arith.constant 0 : i32
      %dma_wait3A_106 = tpu.memref_slice %arg4[%dma_wait3A_104, %dma_wait3A_105] : memref<8192x768xf32, #tpu.memory_space<hbm>> -> memref<8x768xf32, #tpu.memory_space<hbm>>
      tpu.wait_dma2 semaphore(%arg18 : memref<!tpu.dma_semaphore, #tpu.memory_space<semaphore_mem>>) src(%dma_wait3A_106 : memref<8x768xf32, #tpu.memory_space<hbm>>) dst(%arg16 : memref<8x768xf32, #tpu.memory_space<vmem>>)
      "tpu.region"() ({
        %run_scoped3A = tpu.sem_alloc : memref<!tpu.dma_semaphore, #tpu.memory_space<semaphore_mem>>
        %dma_start3A_107 = arith.constant 0 : i32
        %dma_start3A_108 = arith.constant 0 : i32
        %dma_start3A_109 = tpu.memref_slice %arg7[%add3A_85, %dma_start3A_107, %dma_start3A_108] : memref<1024x64x768xf32, #tpu.memory_space<hbm>> -> memref<1x40x768xf32, #tpu.memory_space<hbm>>
        %dma_start3A_110 = tpu.memref_squeeze %dma_start3A_109 : memref<1x40x768xf32, #tpu.memory_space<hbm>> -> memref<40x768xf32, #tpu.memory_space<hbm>>
        %dma_start3A_111 = arith.constant 0 : i32
        %dma_start3A_112 = arith.constant 0 : i32
        %dma_start3A_113 = tpu.memref_slice %arg7[%add3A_85, %dma_start3A_111, %dma_start3A_112] : memref<1024x64x768xf32, #tpu.memory_space<hbm>> -> memref<1x40x768xf32, #tpu.memory_space<hbm>>
        %dma_start3A_114 = tpu.memref_squeeze %dma_start3A_113 : memref<1x40x768xf32, #tpu.memory_space<hbm>> -> memref<40x768xf32, #tpu.memory_space<hbm>>
        tpu.enqueue_dma source(%arg12 : memref<40x768xf32, #tpu.memory_space<vmem>>) target(%dma_start3A_114 : memref<40x768xf32, #tpu.memory_space<hbm>>) target_semaphore(%run_scoped3A : memref<!tpu.dma_semaphore, #tpu.memory_space<semaphore_mem>>)
        %dma_wait3A_115 = arith.constant 0 : i32
        %dma_wait3A_116 = arith.constant 0 : i32
        %dma_wait3A_117 = tpu.memref_slice %arg7[%add3A_85, %dma_wait3A_115, %dma_wait3A_116] : memref<1024x64x768xf32, #tpu.memory_space<hbm>> -> memref<1x40x768xf32, #tpu.memory_space<hbm>>
        %dma_wait3A_118 = tpu.memref_squeeze %dma_wait3A_117 : memref<1x40x768xf32, #tpu.memory_space<hbm>> -> memref<40x768xf32, #tpu.memory_space<hbm>>
        %dma_wait3A_119 = arith.constant 0 : i32
        %dma_wait3A_120 = arith.constant 0 : i32
        %dma_wait3A_121 = tpu.memref_slice %arg7[%add3A_85, %dma_wait3A_119, %dma_wait3A_120] : memref<1024x64x768xf32, #tpu.memory_space<hbm>> -> memref<1x40x768xf32, #tpu.memory_space<hbm>>
        %dma_wait3A_122 = tpu.memref_squeeze %dma_wait3A_121 : memref<1x40x768xf32, #tpu.memory_space<hbm>> -> memref<40x768xf32, #tpu.memory_space<hbm>>
        tpu.wait_dma2 semaphore(%run_scoped3A : memref<!tpu.dma_semaphore, #tpu.memory_space<semaphore_mem>>) src(%arg12 : memref<40x768xf32, #tpu.memory_space<vmem>>) dst(%dma_wait3A_122 : memref<40x768xf32, #tpu.memory_space<hbm>>)
        tpu.yield
      }) : () -> ()
      "tpu.region"() ({
        %run_scoped3A = tpu.sem_alloc : memref<!tpu.dma_semaphore, #tpu.memory_space<semaphore_mem>>
        %dma_start3A_107 = arith.constant 40 : i32
        %dma_start3A_108 = arith.constant 0 : i32
        %dma_start3A_109 = tpu.memref_slice %arg7[%add3A_85, %dma_start3A_107, %dma_start3A_108] : memref<1024x64x768xf32, #tpu.memory_space<hbm>> -> memref<1x24x768xf32, #tpu.memory_space<hbm>>
        %dma_start3A_110 = tpu.memref_squeeze %dma_start3A_109 : memref<1x24x768xf32, #tpu.memory_space<hbm>> -> memref<24x768xf32, #tpu.memory_space<hbm>>
        %dma_start3A_111 = arith.constant 40 : i32
        %dma_start3A_112 = arith.constant 0 : i32
        %dma_start3A_113 = tpu.memref_slice %arg7[%add3A_85, %dma_start3A_111, %dma_start3A_112] : memref<1024x64x768xf32, #tpu.memory_space<hbm>> -> memref<1x24x768xf32, #tpu.memory_space<hbm>>
        %dma_start3A_114 = tpu.memref_squeeze %dma_start3A_113 : memref<1x24x768xf32, #tpu.memory_space<hbm>> -> memref<24x768xf32, #tpu.memory_space<hbm>>
        tpu.enqueue_dma source(%arg14 : memref<24x768xf32, #tpu.memory_space<vmem>>) target(%dma_start3A_114 : memref<24x768xf32, #tpu.memory_space<hbm>>) target_semaphore(%run_scoped3A : memref<!tpu.dma_semaphore, #tpu.memory_space<semaphore_mem>>)
        %dma_wait3A_115 = arith.constant 40 : i32
        %dma_wait3A_116 = arith.constant 0 : i32
        %dma_wait3A_117 = tpu.memref_slice %arg7[%add3A_85, %dma_wait3A_115, %dma_wait3A_116] : memref<1024x64x768xf32, #tpu.memory_space<hbm>> -> memref<1x24x768xf32, #tpu.memory_space<hbm>>
        %dma_wait3A_118 = tpu.memref_squeeze %dma_wait3A_117 : memref<1x24x768xf32, #tpu.memory_space<hbm>> -> memref<24x768xf32, #tpu.memory_space<hbm>>
        %dma_wait3A_119 = arith.constant 40 : i32
        %dma_wait3A_120 = arith.constant 0 : i32
        %dma_wait3A_121 = tpu.memref_slice %arg7[%add3A_85, %dma_wait3A_119, %dma_wait3A_120] : memref<1024x64x768xf32, #tpu.memory_space<hbm>> -> memref<1x24x768xf32, #tpu.memory_space<hbm>>
        %dma_wait3A_122 = tpu.memref_squeeze %dma_wait3A_121 : memref<1x24x768xf32, #tpu.memory_space<hbm>> -> memref<24x768xf32, #tpu.memory_space<hbm>>
        tpu.wait_dma2 semaphore(%run_scoped3A : memref<!tpu.dma_semaphore, #tpu.memory_space<semaphore_mem>>) src(%arg14 : memref<24x768xf32, #tpu.memory_space<vmem>>) dst(%dma_wait3A_122 : memref<24x768xf32, #tpu.memory_space<hbm>>)
        tpu.yield
      }) : () -> ()
      "tpu.region"() ({
        %run_scoped3A = tpu.sem_alloc : memref<!tpu.dma_semaphore, #tpu.memory_space<semaphore_mem>>
        %dma_start3A_107 = arith.constant 0 : i32
        %dma_start3A_108 = arith.constant 0 : i32
        %dma_start3A_109 = tpu.memref_slice %arg8[%add3A_85, %dma_start3A_107, %dma_start3A_108] : memref<1024x8x768xf32, #tpu.memory_space<hbm>> -> memref<1x8x768xf32, #tpu.memory_space<hbm>>
        %dma_start3A_110 = tpu.memref_squeeze %dma_start3A_109 : memref<1x8x768xf32, #tpu.memory_space<hbm>> -> memref<8x768xf32, #tpu.memory_space<hbm>>
        %dma_start3A_111 = arith.constant 0 : i32
        %dma_start3A_112 = arith.constant 0 : i32
        %dma_start3A_113 = tpu.memref_slice %arg8[%add3A_85, %dma_start3A_111, %dma_start3A_112] : memref<1024x8x768xf32, #tpu.memory_space<hbm>> -> memref<1x8x768xf32, #tpu.memory_space<hbm>>
        %dma_start3A_114 = tpu.memref_squeeze %dma_start3A_113 : memref<1x8x768xf32, #tpu.memory_space<hbm>> -> memref<8x768xf32, #tpu.memory_space<hbm>>
        tpu.enqueue_dma source(%arg16 : memref<8x768xf32, #tpu.memory_space<vmem>>) target(%dma_start3A_114 : memref<8x768xf32, #tpu.memory_space<hbm>>) target_semaphore(%run_scoped3A : memref<!tpu.dma_semaphore, #tpu.memory_space<semaphore_mem>>)
        %dma_wait3A_115 = arith.constant 0 : i32
        %dma_wait3A_116 = arith.constant 0 : i32
        %dma_wait3A_117 = tpu.memref_slice %arg8[%add3A_85, %dma_wait3A_115, %dma_wait3A_116] : memref<1024x8x768xf32, #tpu.memory_space<hbm>> -> memref<1x8x768xf32, #tpu.memory_space<hbm>>
        %dma_wait3A_118 = tpu.memref_squeeze %dma_wait3A_117 : memref<1x8x768xf32, #tpu.memory_space<hbm>> -> memref<8x768xf32, #tpu.memory_space<hbm>>
        %dma_wait3A_119 = arith.constant 0 : i32
        %dma_wait3A_120 = arith.constant 0 : i32
        %dma_wait3A_121 = tpu.memref_slice %arg8[%add3A_85, %dma_wait3A_119, %dma_wait3A_120] : memref<1024x8x768xf32, #tpu.memory_space<hbm>> -> memref<1x8x768xf32, #tpu.memory_space<hbm>>
        %dma_wait3A_122 = tpu.memref_squeeze %dma_wait3A_121 : memref<1x8x768xf32, #tpu.memory_space<hbm>> -> memref<8x768xf32, #tpu.memory_space<hbm>>
        tpu.wait_dma2 semaphore(%run_scoped3A : memref<!tpu.dma_semaphore, #tpu.memory_space<semaphore_mem>>) src(%arg16 : memref<8x768xf32, #tpu.memory_space<vmem>>) dst(%dma_wait3A_122 : memref<8x768xf32, #tpu.memory_space<hbm>>)
        tpu.yield
      }) : () -> ()
    }
    %scan3A_29 = arith.constant 16 : i32
    return
  }
}

module attributes {stable_mosaic.version = 14 : i64} {
  func.func @_sim_body(%arg0: i32, %arg1: i32, %arg2: memref<256x768xf32, #tpu.memory_space<vmem>>, %arg3: memref<2048x768xf32, #tpu.memory_space<vmem>>, %arg4: memref<256x2048xf32, #tpu.memory_space<vmem>>) attributes {dimension_semantics = [#tpu.dimension_semantics<arbitrary>, #tpu.dimension_semantics<arbitrary>], iteration_bounds = array<i64: 4, 4>, scalar_prefetch = 0 : i64, scratch_operands = 0 : i64, tpu.core_type = #tpu.core_type<tc>, window_params = [{transform_indices = @transform_0, window_bounds = array<i64: 256, 768>}, {transform_indices = @transform_1, window_bounds = array<i64: 2048, 768>}, {transform_indices = @transform_2, window_bounds = array<i64: 256, 2048>}]} {
    %get3A = arith.constant 0 : index
    %get3A_0 = arith.constant 0 : index
    %get3A_1 = vector.load %arg2[%get3A, %get3A_0] : memref<256x768xf32, #tpu.memory_space<vmem>>, vector<256x768xf32>
    %get3A_2 = arith.constant 0 : index
    %get3A_3 = arith.constant 0 : index
    %get3A_4 = vector.load %arg3[%get3A_2, %get3A_3] : memref<2048x768xf32, #tpu.memory_space<vmem>>, vector<2048x768xf32>
    %dot_general3A = arith.constant dense<0.000000e+00> : vector<256x2048xf32>
    %dot_general3A_5 = tpu.matmul %get3A_1, %get3A_4, %dot_general3A {dimension_numbers = #tpu.dot_dimension_numbers<[1], [1], [0], [0], [0, 0, 1, 0], [], []>, transpose_lhs_hint = false} : vector<256x768xf32>, vector<2048x768xf32>, vector<256x2048xf32> -> vector<256x2048xf32>
    %swap3A = arith.constant 0 : index
    %swap3A_6 = arith.constant 0 : index
    %swap3A_7 = vector.load %arg4[%swap3A, %swap3A_6] : memref<256x2048xf32, #tpu.memory_space<vmem>>, vector<256x2048xf32>
    tpu.vector_store %arg4[%swap3A, %swap3A_6], %dot_general3A_5 {strides = array<i32>} : memref<256x2048xf32, #tpu.memory_space<vmem>>, vector<256x2048xf32>,
    return
  }
  func.func @transform_0(%arg0: i32, %arg1: i32) -> (i32, i32) {
    %c0_i32 = arith.constant 0 : i32
    %c0_i32_0 = arith.constant 0 : i32
    return %arg1, %c0_i32 : i32, i32
  }
  func.func @transform_1(%arg0: i32, %arg1: i32) -> (i32, i32) {
    %c0_i32 = arith.constant 0 : i32
    %c0_i32_0 = arith.constant 0 : i32
    return %arg0, %c0_i32 : i32, i32
  }
  func.func @transform_2(%arg0: i32, %arg1: i32) -> (i32, i32) {
    %c0_i32 = arith.constant 0 : i32
    return %arg1, %arg0 : i32, i32
  }
}

module attributes {stable_mosaic.version = 14 : i64} {
  func.func @_topk_body(%arg0: i32, %arg1: memref<256x8192xf32, #tpu.memory_space<vmem>>, %arg2: memref<256x8xi32, #tpu.memory_space<vmem>>, %arg3: memref<1x1x1xf32, #tpu.memory_space<vmem>>) attributes {dimension_semantics = [#tpu.dimension_semantics<arbitrary>], iteration_bounds = array<i64: 4>, scalar_prefetch = 0 : i64, scratch_operands = 0 : i64, tpu.core_type = #tpu.core_type<tc>, window_params = [{transform_indices = @transform_0, window_bounds = array<i64: 256, 8192>}, {transform_indices = @transform_1, window_bounds = array<i64: 256, 8>}, {transform_indices = @transform_2, window_bounds = array<i64: 1, 1, 1>}]} {
    %iota3A = tpu.iota {dimensions = array<i32: 1>} : vector<256x8192xi32>
    %get3A = arith.constant 0 : index
    %get3A_0 = arith.constant 0 : index
    %get3A_1 = vector.load %arg1[%get3A, %get3A_0] : memref<256x8192xf32, #tpu.memory_space<vmem>>, vector<256x8192xf32>
    %reduce_max3A = arith.constant dense<0xFF800000> : vector<256xf32>
    %reduce_max3A_2 = vector.multi_reduction <maximumf>, %get3A_1, %reduce_max3A [1] : vector<256x8192xf32> to vector<256xf32>
    %broadcast_in_dim3A = vector.shape_cast %reduce_max3A_2 : vector<256xf32> to vector<256x1xf32>
    %eq3A = vector.broadcast %broadcast_in_dim3A : vector<256x1xf32> to vector<256x8192xf32>
    %eq3A_3 = arith.cmpf oeq, %get3A_1, %eq3A : vector<256x8192xf32>
    %jit3A = arith.constant 8192 : i32
    %broadcast_in_dim3A_4 = vector.broadcast %jit3A : i32 to vector<256x8192xi32>
    %select_n3A = arith.select %eq3A_3, %iota3A, %broadcast_in_dim3A_4 : vector<256x8192xi1>, vector<256x8192xi32>
    %reduce_min3A = arith.constant dense<2147483647> : vector<256xi32>
    %reduce_min3A_5 = vector.multi_reduction <minsi>, %select_n3A, %reduce_min3A [1] : vector<256x8192xi32> to vector<256xi32>
    %broadcast_in_dim3A_6 = vector.shape_cast %reduce_min3A_5 : vector<256xi32> to vector<256x1xi32>
    %eq3A_7 = vector.broadcast %broadcast_in_dim3A_6 : vector<256x1xi32> to vector<256x8192xi32>
    %eq3A_8 = arith.cmpi eq, %iota3A, %eq3A_7 : vector<256x8192xi32>
    %jit3A_9 = arith.constant 0xFF800000 : f32
    %broadcast_in_dim3A_10 = vector.broadcast %jit3A_9 : f32 to vector<256x8192xf32>
    %select_n3A_11 = arith.select %eq3A_8, %broadcast_in_dim3A_10, %get3A_1 : vector<256x8192xi1>, vector<256x8192xf32>
    %reduce_max3A_12 = arith.constant dense<0xFF800000> : vector<256xf32>
    %reduce_max3A_13 = vector.multi_reduction <maximumf>, %select_n3A_11, %reduce_max3A_12 [1] : vector<256x8192xf32> to vector<256xf32>
    %broadcast_in_dim3A_14 = vector.shape_cast %reduce_max3A_13 : vector<256xf32> to vector<256x1xf32>
    %eq3A_15 = vector.broadcast %broadcast_in_dim3A_14 : vector<256x1xf32> to vector<256x8192xf32>
    %eq3A_16 = arith.cmpf oeq, %select_n3A_11, %eq3A_15 : vector<256x8192xf32>
    %jit3A_17 = arith.constant 8192 : i32
    %broadcast_in_dim3A_18 = vector.broadcast %jit3A_17 : i32 to vector<256x8192xi32>
    %select_n3A_19 = arith.select %eq3A_16, %iota3A, %broadcast_in_dim3A_18 : vector<256x8192xi1>, vector<256x8192xi32>
    %reduce_min3A_20 = arith.constant dense<2147483647> : vector<256xi32>
    %reduce_min3A_21 = vector.multi_reduction <minsi>, %select_n3A_19, %reduce_min3A_20 [1] : vector<256x8192xi32> to vector<256xi32>
    %broadcast_in_dim3A_22 = vector.shape_cast %reduce_min3A_21 : vector<256xi32> to vector<256x1xi32>
    %add3A = arith.addf %broadcast_in_dim3A, %broadcast_in_dim3A_14 : vector<256x1xf32>
    %eq3A_23 = vector.broadcast %broadcast_in_dim3A_22 : vector<256x1xi32> to vector<256x8192xi32>
    %eq3A_24 = arith.cmpi eq, %iota3A, %eq3A_23 : vector<256x8192xi32>
    %jit3A_25 = arith.constant 0xFF800000 : f32
    %broadcast_in_dim3A_26 = vector.broadcast %jit3A_25 : f32 to vector<256x8192xf32>
    %select_n3A_27 = arith.select %eq3A_24, %broadcast_in_dim3A_26, %select_n3A_11 : vector<256x8192xi1>, vector<256x8192xf32>
    %reduce_max3A_28 = arith.constant dense<0xFF800000> : vector<256xf32>
    %reduce_max3A_29 = vector.multi_reduction <maximumf>, %select_n3A_27, %reduce_max3A_28 [1] : vector<256x8192xf32> to vector<256xf32>
    %broadcast_in_dim3A_30 = vector.shape_cast %reduce_max3A_29 : vector<256xf32> to vector<256x1xf32>
    %eq3A_31 = vector.broadcast %broadcast_in_dim3A_30 : vector<256x1xf32> to vector<256x8192xf32>
    %eq3A_32 = arith.cmpf oeq, %select_n3A_27, %eq3A_31 : vector<256x8192xf32>
    %jit3A_33 = arith.constant 8192 : i32
    %broadcast_in_dim3A_34 = vector.broadcast %jit3A_33 : i32 to vector<256x8192xi32>
    %select_n3A_35 = arith.select %eq3A_32, %iota3A, %broadcast_in_dim3A_34 : vector<256x8192xi1>, vector<256x8192xi32>
    %reduce_min3A_36 = arith.constant dense<2147483647> : vector<256xi32>
    %reduce_min3A_37 = vector.multi_reduction <minsi>, %select_n3A_35, %reduce_min3A_36 [1] : vector<256x8192xi32> to vector<256xi32>
    %broadcast_in_dim3A_38 = vector.shape_cast %reduce_min3A_37 : vector<256xi32> to vector<256x1xi32>
    %add3A_39 = arith.addf %add3A, %broadcast_in_dim3A_30 : vector<256x1xf32>
    %eq3A_40 = vector.broadcast %broadcast_in_dim3A_38 : vector<256x1xi32> to vector<256x8192xi32>
    %eq3A_41 = arith.cmpi eq, %iota3A, %eq3A_40 : vector<256x8192xi32>
    %jit3A_42 = arith.constant 0xFF800000 : f32
    %broadcast_in_dim3A_43 = vector.broadcast %jit3A_42 : f32 to vector<256x8192xf32>
    %select_n3A_44 = arith.select %eq3A_41, %broadcast_in_dim3A_43, %select_n3A_27 : vector<256x8192xi1>, vector<256x8192xf32>
    %reduce_max3A_45 = arith.constant dense<0xFF800000> : vector<256xf32>
    %reduce_max3A_46 = vector.multi_reduction <maximumf>, %select_n3A_44, %reduce_max3A_45 [1] : vector<256x8192xf32> to vector<256xf32>
    %broadcast_in_dim3A_47 = vector.shape_cast %reduce_max3A_46 : vector<256xf32> to vector<256x1xf32>
    %eq3A_48 = vector.broadcast %broadcast_in_dim3A_47 : vector<256x1xf32> to vector<256x8192xf32>
    %eq3A_49 = arith.cmpf oeq, %select_n3A_44, %eq3A_48 : vector<256x8192xf32>
    %jit3A_50 = arith.constant 8192 : i32
    %broadcast_in_dim3A_51 = vector.broadcast %jit3A_50 : i32 to vector<256x8192xi32>
    %select_n3A_52 = arith.select %eq3A_49, %iota3A, %broadcast_in_dim3A_51 : vector<256x8192xi1>, vector<256x8192xi32>
    %reduce_min3A_53 = arith.constant dense<2147483647> : vector<256xi32>
    %reduce_min3A_54 = vector.multi_reduction <minsi>, %select_n3A_52, %reduce_min3A_53 [1] : vector<256x8192xi32> to vector<256xi32>
    %broadcast_in_dim3A_55 = vector.shape_cast %reduce_min3A_54 : vector<256xi32> to vector<256x1xi32>
    %add3A_56 = arith.addf %add3A_39, %broadcast_in_dim3A_47 : vector<256x1xf32>
    %eq3A_57 = vector.broadcast %broadcast_in_dim3A_55 : vector<256x1xi32> to vector<256x8192xi32>
    %eq3A_58 = arith.cmpi eq, %iota3A, %eq3A_57 : vector<256x8192xi32>
    %jit3A_59 = arith.constant 0xFF800000 : f32
    %broadcast_in_dim3A_60 = vector.broadcast %jit3A_59 : f32 to vector<256x8192xf32>
    %select_n3A_61 = arith.select %eq3A_58, %broadcast_in_dim3A_60, %select_n3A_44 : vector<256x8192xi1>, vector<256x8192xf32>
    %reduce_max3A_62 = arith.constant dense<0xFF800000> : vector<256xf32>
    %reduce_max3A_63 = vector.multi_reduction <maximumf>, %select_n3A_61, %reduce_max3A_62 [1] : vector<256x8192xf32> to vector<256xf32>
    %broadcast_in_dim3A_64 = vector.shape_cast %reduce_max3A_63 : vector<256xf32> to vector<256x1xf32>
    %eq3A_65 = vector.broadcast %broadcast_in_dim3A_64 : vector<256x1xf32> to vector<256x8192xf32>
    %eq3A_66 = arith.cmpf oeq, %select_n3A_61, %eq3A_65 : vector<256x8192xf32>
    %jit3A_67 = arith.constant 8192 : i32
    %broadcast_in_dim3A_68 = vector.broadcast %jit3A_67 : i32 to vector<256x8192xi32>
    %select_n3A_69 = arith.select %eq3A_66, %iota3A, %broadcast_in_dim3A_68 : vector<256x8192xi1>, vector<256x8192xi32>
    %reduce_min3A_70 = arith.constant dense<2147483647> : vector<256xi32>
    %reduce_min3A_71 = vector.multi_reduction <minsi>, %select_n3A_69, %reduce_min3A_70 [1] : vector<256x8192xi32> to vector<256xi32>
    %broadcast_in_dim3A_72 = vector.shape_cast %reduce_min3A_71 : vector<256xi32> to vector<256x1xi32>
    %add3A_73 = arith.addf %add3A_56, %broadcast_in_dim3A_64 : vector<256x1xf32>
    %eq3A_74 = vector.broadcast %broadcast_in_dim3A_72 : vector<256x1xi32> to vector<256x8192xi32>
    %eq3A_75 = arith.cmpi eq, %iota3A, %eq3A_74 : vector<256x8192xi32>
    %jit3A_76 = arith.constant 0xFF800000 : f32
    %broadcast_in_dim3A_77 = vector.broadcast %jit3A_76 : f32 to vector<256x8192xf32>
    %select_n3A_78 = arith.select %eq3A_75, %broadcast_in_dim3A_77, %select_n3A_61 : vector<256x8192xi1>, vector<256x8192xf32>
    %reduce_max3A_79 = arith.constant dense<0xFF800000> : vector<256xf32>
    %reduce_max3A_80 = vector.multi_reduction <maximumf>, %select_n3A_78, %reduce_max3A_79 [1] : vector<256x8192xf32> to vector<256xf32>
    %broadcast_in_dim3A_81 = vector.shape_cast %reduce_max3A_80 : vector<256xf32> to vector<256x1xf32>
    %eq3A_82 = vector.broadcast %broadcast_in_dim3A_81 : vector<256x1xf32> to vector<256x8192xf32>
    %eq3A_83 = arith.cmpf oeq, %select_n3A_78, %eq3A_82 : vector<256x8192xf32>
    %jit3A_84 = arith.constant 8192 : i32
    %broadcast_in_dim3A_85 = vector.broadcast %jit3A_84 : i32 to vector<256x8192xi32>
    %select_n3A_86 = arith.select %eq3A_83, %iota3A, %broadcast_in_dim3A_85 : vector<256x8192xi1>, vector<256x8192xi32>
    %reduce_min3A_87 = arith.constant dense<2147483647> : vector<256xi32>
    %reduce_min3A_88 = vector.multi_reduction <minsi>, %select_n3A_86, %reduce_min3A_87 [1] : vector<256x8192xi32> to vector<256xi32>
    %broadcast_in_dim3A_89 = vector.shape_cast %reduce_min3A_88 : vector<256xi32> to vector<256x1xi32>
    %add3A_90 = arith.addf %add3A_73, %broadcast_in_dim3A_81 : vector<256x1xf32>
    %eq3A_91 = vector.broadcast %broadcast_in_dim3A_89 : vector<256x1xi32> to vector<256x8192xi32>
    %eq3A_92 = arith.cmpi eq, %iota3A, %eq3A_91 : vector<256x8192xi32>
    %jit3A_93 = arith.constant 0xFF800000 : f32
    %broadcast_in_dim3A_94 = vector.broadcast %jit3A_93 : f32 to vector<256x8192xf32>
    %select_n3A_95 = arith.select %eq3A_92, %broadcast_in_dim3A_94, %select_n3A_78 : vector<256x8192xi1>, vector<256x8192xf32>
    %reduce_max3A_96 = arith.constant dense<0xFF800000> : vector<256xf32>
    %reduce_max3A_97 = vector.multi_reduction <maximumf>, %select_n3A_95, %reduce_max3A_96 [1] : vector<256x8192xf32> to vector<256xf32>
    %broadcast_in_dim3A_98 = vector.shape_cast %reduce_max3A_97 : vector<256xf32> to vector<256x1xf32>
    %eq3A_99 = vector.broadcast %broadcast_in_dim3A_98 : vector<256x1xf32> to vector<256x8192xf32>
    %eq3A_100 = arith.cmpf oeq, %select_n3A_95, %eq3A_99 : vector<256x8192xf32>
    %jit3A_101 = arith.constant 8192 : i32
    %broadcast_in_dim3A_102 = vector.broadcast %jit3A_101 : i32 to vector<256x8192xi32>
    %select_n3A_103 = arith.select %eq3A_100, %iota3A, %broadcast_in_dim3A_102 : vector<256x8192xi1>, vector<256x8192xi32>
    %reduce_min3A_104 = arith.constant dense<2147483647> : vector<256xi32>
    %reduce_min3A_105 = vector.multi_reduction <minsi>, %select_n3A_103, %reduce_min3A_104 [1] : vector<256x8192xi32> to vector<256xi32>
    %broadcast_in_dim3A_106 = vector.shape_cast %reduce_min3A_105 : vector<256xi32> to vector<256x1xi32>
    %add3A_107 = arith.addf %add3A_90, %broadcast_in_dim3A_98 : vector<256x1xf32>
    %eq3A_108 = vector.broadcast %broadcast_in_dim3A_106 : vector<256x1xi32> to vector<256x8192xi32>
    %eq3A_109 = arith.cmpi eq, %iota3A, %eq3A_108 : vector<256x8192xi32>
    %jit3A_110 = arith.constant 0xFF800000 : f32
    %broadcast_in_dim3A_111 = vector.broadcast %jit3A_110 : f32 to vector<256x8192xf32>
    %select_n3A_112 = arith.select %eq3A_109, %broadcast_in_dim3A_111, %select_n3A_95 : vector<256x8192xi1>, vector<256x8192xf32>
    %reduce_max3A_113 = arith.constant dense<0xFF800000> : vector<256xf32>
    %reduce_max3A_114 = vector.multi_reduction <maximumf>, %select_n3A_112, %reduce_max3A_113 [1] : vector<256x8192xf32> to vector<256xf32>
    %broadcast_in_dim3A_115 = vector.shape_cast %reduce_max3A_114 : vector<256xf32> to vector<256x1xf32>
    %eq3A_116 = vector.broadcast %broadcast_in_dim3A_115 : vector<256x1xf32> to vector<256x8192xf32>
    %eq3A_117 = arith.cmpf oeq, %select_n3A_112, %eq3A_116 : vector<256x8192xf32>
    %jit3A_118 = arith.constant 8192 : i32
    %broadcast_in_dim3A_119 = vector.broadcast %jit3A_118 : i32 to vector<256x8192xi32>
    %select_n3A_120 = arith.select %eq3A_117, %iota3A, %broadcast_in_dim3A_119 : vector<256x8192xi1>, vector<256x8192xi32>
    %reduce_min3A_121 = arith.constant dense<2147483647> : vector<256xi32>
    %reduce_min3A_122 = vector.multi_reduction <minsi>, %select_n3A_120, %reduce_min3A_121 [1] : vector<256x8192xi32> to vector<256xi32>
    %broadcast_in_dim3A_123 = vector.shape_cast %reduce_min3A_122 : vector<256xi32> to vector<256x1xi32>
    %add3A_124 = arith.addf %add3A_107, %broadcast_in_dim3A_115 : vector<256x1xf32>
    %concatenate3A = tpu.concatenate %broadcast_in_dim3A_6, %broadcast_in_dim3A_22, %broadcast_in_dim3A_38, %broadcast_in_dim3A_55, %broadcast_in_dim3A_72, %broadcast_in_dim3A_89, %broadcast_in_dim3A_106, %broadcast_in_dim3A_123 in 1 : vector<256x1xi32>, vector<256x1xi32>, vector<256x1xi32>, vector<256x1xi32>, vector<256x1xi32>, vector<256x1xi32>, vector<256x1xi32>, vector<256x1xi32> -> vector<256x8xi32>
    %swap3A = arith.constant 0 : index
    %swap3A_125 = arith.constant 0 : index
    %swap3A_126 = vector.load %arg2[%swap3A, %swap3A_125] : memref<256x8xi32, #tpu.memory_space<vmem>>, vector<256x8xi32>
    tpu.vector_store %arg2[%swap3A, %swap3A_125], %concatenate3A {strides = array<i32>} : memref<256x8xi32, #tpu.memory_space<vmem>>, vector<256x8xi32>,
    %reduce_sum3A = vector.shape_cast %add3A_124 : vector<256x1xf32> to vector<1x256x1xf32>
    %reduce_sum3A_127 = arith.constant dense<0.000000e+00> : vector<1xf32>
    %reduce_sum3A_128 = vector.multi_reduction <add>, %reduce_sum3A, %reduce_sum3A_127 [1, 2] : vector<1x256x1xf32> to vector<1xf32>
    %reduce_sum3A_129 = vector.shape_cast %reduce_sum3A_128 : vector<1xf32> to vector<1x1x1xf32>
    %reduce_sum3A_130 = vector.extract %reduce_sum3A_129[0, 0, 0] : f32 from vector<1x1x1xf32>
    %broadcast_in_dim3A_131 = vector.broadcast %reduce_sum3A_130 : f32 to vector<1x1x1xf32>
    %swap3A_132 = arith.constant 0 : index
    %swap3A_133 = arith.constant 0 : index
    %swap3A_134 = arith.constant 0 : index
    %swap3A_135 = vector.load %arg3[%swap3A_132, %swap3A_133, %swap3A_134] : memref<1x1x1xf32, #tpu.memory_space<vmem>>, vector<1x1x1xf32>
    tpu.vector_store %arg3[%swap3A_132, %swap3A_133, %swap3A_134], %broadcast_in_dim3A_131 {strides = array<i32>} : memref<1x1x1xf32, #tpu.memory_space<vmem>>, vector<1x1x1xf32>,
    return
  }
  func.func @transform_0(%arg0: i32) -> (i32, i32) {
    %c0_i32 = arith.constant 0 : i32
    %c0_i32_0 = arith.constant 0 : i32
    return %arg0, %c0_i32 : i32, i32
  }
  func.func @transform_1(%arg0: i32) -> (i32, i32) {
    %c0_i32 = arith.constant 0 : i32
    %c0_i32_0 = arith.constant 0 : i32
    return %arg0, %c0_i32 : i32, i32
  }
  func.func @transform_2(%arg0: i32) -> (i32, i32, i32) {
    %c0_i32 = arith.constant 0 : i32
    %c0_i32_0 = arith.constant 0 : i32
    %c0_i32_1 = arith.constant 0 : i32
    return %arg0, %c0_i32, %c0_i32_0 : i32, i32, i32
  }
}

</mosaic_0001>

<sc_bundles>
// kernel: kernel.5.cloned.1.call-start
scs
__scs_entry_jumppad:
0x0: {  	(pc) =	sbr.rel $0x88, $3  }
0x1: {  	(tag) =	ssettag $0x0;
	lr =	simm.s32 $0x1  }
0x2: {  	[smem:$0x3F9E] =	sst lr;
	_ =	strace $0xD0000000  }
0x3: {  	_ = 	snop  }
0x4: {  	_ = 	snop  }
0x5: {  	_ = 	snop  }
0x6: {  	_ = 	snop  }
0x7: {  	_ = 	snop  }
__scs_overlays_trampoline_lowered:
0x8: {  	[smem:$0x3FAD] =	sst s0  }
0x9: {  	[smem:$0x3FAE] =	sst s1  }
0xa: {  	[smem:$0x3FAF] =	sst s2  }
0xb: {  	[smem:$0x3FB0] =	sst s3  }
0xc: {  	[smem:$0x3FB1] =	sst s4  }
0xd: {  	[smem:$0x3FB2] =	sst s5  }
0xe: {  	[smem:$0x3FB3] =	sst s6  }
0xf: {  	[smem:$0x3FB4] =	sst s7  }
0x10: {  	[smem:$0x3FB5] =	sst s8  }
0x11: {  	[smem:$0x3FB6] =	sst s9;
	s0 =	simm.s32 @!p0 $0x0  }
0x12: {  	s1 =	sld [smem:$0x3F9C];
	s0 =	simm.s32 @p0 $0x1  }
0x13: {  	[smem:$0x3FB7] =	sst s0;
	s0 =	simm.s32 @!p1 $0x0  }
0x14: {  	s2 =	sld [smem:$0x3F9B];
	s0 =	simm.s32 @p1 $0x1  }
0x15: {  	[smem:$0x3FB8] =	sst s0;
	s0 =	simm.s32 @!p2 $0x0  }
0x16: {  	s3 =	sld [smem:$0x3FDB];
	s0 =	simm.s32 @p2 $0x1  }
0x17: {  	s4 =	simm.s32 $0x1BF5;
	[smem:$0x3FBA] =	sst s0  }
0x18: {  	s0 =	sld [smem:$0x3F9D];
	_ =	swait.ge [sflag:s4], $0x0  }
0x19: {  	s7 =	sld [smem:$0x3F9E]  }
0x1a: {  	s8 =	sadd.s32 $0xFFFFE003, lr  }
0x1b: {  	s9 =	sadd.s32 $0xFFFFFEF7, lr;
	s5 =	simm.s32 $0xFFFFFFFF;
	p2 =	slt.u32 s8, $0xFFFFF086  }
0x1c: {  	p1 =	slt.u32 s9, $0xF7A;
	s5 =	simm.s32 @!p2 $0x0  }
0x1d: {  	s5 =	simm.s32 @p1 $0x1;
	p0 =	seq.s32 s7, s2  }
0x1e: {  	s7 =	smul.u32 @!p0 $0xF7A, s2;
	p2 =	seq.s32 @!p0 s5, $0x0  }
0x1f: {  	s9 =	smul.u32 $0xF7A, s1;
	s8 =	simm.s32 @!p0 $0x1BF5;
	p2 =	por !p2, p0  }
0x20: {  	[sflag:s8] =	ssyncset.s32 @!p0 $0xFFFFF086;
	s6 =	sadd.s32 @!p0 s3, s7;
	s7 =	simm.s32 @!p0 $0x108  }
0x21: {  	s3 =	sadd.s32 s3, s9;
	s6 =	sadd.s32 @!p0 $0x88, s6;
	s7 =	simm.s32 @p2 $0x1082  }
0x22: {  	[simem:s7], [sflag:s8] =	dma.local @!p0 [hbm:s6], $0xF7A  }
0x23: {  	s9 =	sor.u32 $0xD0000000, s2;
	s6 =	simm.s32 $0x108;
	_ =	swait.ge @!p0 [sflag:s8], $0x0  }
0x24: {  	s3 =	sadd.s32 $0x88, s3;
	s6 =	simm.s32 @!p1 $0x1082;
	[sflag:s4] =	ssyncset.s32 $0xFFFFF086  }
0x25: {  	[simem:s6], [sflag:s4] =	dma.local [hbm:s3], $0xF7A  }
0x26: {  	[smem:$0x3F9E] =	sst s1;
	(tag) =	ssettag s2;
	_ =	strace s9  }
0x27: {  	s1 =	sld [smem:$0x3FAE]  }
0x28: {  	s2 =	sld [smem:$0x3FAF]  }
0x29: {  	s4 =	sld [smem:$0x3FB1]  }
0x2a: {  	p0 =	seq.s32 s5, $0x0;
	s5 =	sld [smem:$0x3FB2]  }
0x2b: {  	s6 =	sld [smem:$0x3FB3]  }
0x2c: {  	s7 =	sld [smem:$0x3FB4]  }
0x2d: {  	s3 =	simm.s32 $0x108;
	s8 =	sld [smem:$0x3FB5]  }
0x2e: {  	s3 =	simm.s32 @!p0 $0x1082;
	s9 =	sld [smem:$0x3FB6]  }
0x2f: {  	lr =	sadd.s32 s0, s3;
	s0 =	sld [smem:$0x3FAD]  }
0x30: {  	s3 =	sld [smem:$0x3FB0]  }
0x31: {  	[smem:$0x3FB9] =	sst s10  }
0x32: {  	s10 =	sld [smem:$0x3FB7];
	_ =	sdelay $0x3  }
0x33: {  	p0 =	seq.s32 s10, $0x1;
	s10 =	sld [smem:$0x3FB9];
	_ =	sdelay $0x3  }
0x34: {  	[smem:$0x3FB9] =	sst s10  }
0x35: {  	s10 =	sld [smem:$0x3FB8];
	_ =	sdelay $0x3  }
0x36: {  	p1 =	seq.s32 s10, $0x1;
	s10 =	sld [smem:$0x3FB9];
	_ =	sdelay $0x3  }
0x37: {  	[smem:$0x3FB9] =	sst s10  }
0x38: {  	s10 =	sld [smem:$0x3FBA]  }
0x39: {  	_ = 	snop;
	(pc) =	sbr.ind lr, $3  }
0x3a: {  	_ = 	snop  }
0x3b: {  	_ = 	snop  }
0x3c: {  	p2 =	seq.s32 s10, $0x1;
	s10 =	sld [smem:$0x3FB9]  }
0x3d: {  	_ =	shalt  }
0x3e: {  	_ =	shalt  }
0x3f: {  	_ =	shalt  }
0x40: {  	_ =	shalt  }
0x41: {  	_ =	shalt  }
0x42: {  	_ =	shalt  }
0x43: {  	_ =	shalt  }
0x44: {  	_ =	shalt  }
0x45: {  	_ =	shalt  }
0x46: {  	_ =	shalt  }
0x47: {  	_ =	shalt  }
0x48: {  	_ =	shalt  }
0x49: {  	_ =	shalt  }
0x4a: {  	_ =	shalt  }
0x4b: {  	_ =	shalt  }
0x4c: {  	_ =	shalt  }
0x4d: {  	_ =	shalt  }
0x4e: {  	_ =	shalt  }
0x4f: {  	_ =	shalt  }
0x50: {  	_ =	shalt  }
0x51: {  	_ =	shalt  }
0x52: {  	_ =	shalt  }
0x53: {  	_ =	shalt  }
0x54: {  	_ =	shalt  }
0x55: {  	_ =	shalt  }
0x56: {  	_ =	shalt  }
0x57: {  	_ =	shalt  }
0x58: {  	_ =	shalt  }
0x59: {  	_ =	shalt  }
0x5a: {  	_ =	shalt  }
0x5b: {  	_ =	shalt  }
0x5c: {  	_ =	shalt  }
0x5d: {  	_ =	shalt  }
0x5e: {  	_ =	shalt  }
0x5f: {  	_ =	shalt  }
0x60: {  	_ =	shalt  }
0x61: {  	_ =	shalt  }
0x62: {  	_ =	shalt  }
0x63: {  	_ =	shalt  }
0x64: {  	_ =	shalt  }
0x65: {  	_ =	shalt  }
0x66: {  	_ =	shalt  }
0x67: {  	_ =	shalt  }
0x68: {  	_ =	shalt  }
0x69: {  	_ =	shalt  }
0x6a: {  	_ =	shalt  }
0x6b: {  	_ =	shalt  }
0x6c: {  	_ =	shalt  }
0x6d: {  	_ =	shalt  }
0x6e: {  	_ =	shalt  }
0x6f: {  	_ =	shalt  }
0x70: {  	_ =	shalt  }
0x71: {  	_ =	shalt  }
0x72: {  	_ =	shalt  }
0x73: {  	_ =	shalt  }
0x74: {  	_ =	shalt  }
0x75: {  	_ =	shalt  }
0x76: {  	_ =	shalt  }
0x77: {  	_ =	shalt  }
0x78: {  	_ =	shalt  }
0x79: {  	_ =	shalt  }
0x7a: {  	_ =	shalt  }
0x7b: {  	_ =	shalt  }
0x7c: {  	_ =	shalt  }
0x7d: {  	_ =	shalt  }
0x7e: {  	_ =	shalt  }
0x7f: {  	_ =	shalt  }
0x80: {  	_ =	shalt  }
0x81: {  	_ =	shalt  }
0x82: {  	_ =	shalt  }
0x83: {  	_ =	shalt  }
0x84: {  	_ =	shalt  }
0x85: {  	_ =	shalt  }
0x86: {  	_ =	shalt  }
0x87: {  	_ =	shalt  }
.Lfunc_end0:
.L_simem_size_0:
called_computation_lowered:
.L_overlay_start_0:
0x88: {  	s2 =	sld [smem:$0x3FD9]  }
0x89: {  	s3 =	sld [smem:$0x3FFE];
	_ =	sdelay $0x1  }
0x8a: {  	s1 =	srdreg.scid  }
0x8b: {  	s0 =	sand.u32 $0x1, s1  }
0x8c: {  	s14 =	sshll.u32 s0, $0xA;
	s2 =	sadd.s32 s3, s2  }
0x8d: {  	s2 =	sadd.s32 s2, s14  }
0x8e: {  	[smem:$0x3FC5] =	sst s2  }
0x8f: {  	_ = 	snop  }
0x90: {  	s2 =	sld [smem:$0x3FD0];
	_ =	sdelay $0x1  }
0x91: {  	s15 =	sld [smem:$0x3FC9]  }
0x92: {  	s5 =	simm.s32 $0xA;
	s6 =	simm.s32 $0x10;
	s4 =	sld [smem:$0x3FC8]  }
0x93: {  	[smem:s6], [sflag:s5] =	dma.local [hbm:s2], $0x1  }
0x94: {  	_ =	swait.eq [sflag:s5], $0x1  }
0x95: {  	[sflag:s5] =	ssyncset.done $0x0  }
0x96: {  	s16 =	sld [smem:$0x10];
	[sflag:s5] =	ssyncadd.s32 $0xFFFFFFFF  }
0x97: {  	s17 =	sld [smem:$0x14];
	(tm) =	ssettm $0x1  }
0x98: {  	s18 =	sld [smem:$0x3FFB];
	_ =	sdelay $0x3  }
0x99: {  	_ =	strace s18  }
0x9a: {  	s6 =	sld [smem:$0x3FFC];
	_ =	sdelay $0x3  }
0x9b: {  	_ =	strace s6  }
0x9c: {  	s6 =	sld [smem:$0x3FFD];
	_ =	sdelay $0x3  }
0x9d: {  	_ =	strace s6  }
0x9e: {  	_ =	strace $0x8FFFFFFF  }
0x9f: {  	s19 =	sld [smem:$0x3FDB];
	_ =	sdelay $0x1  }
0xa0: {  	s7 =	simm.s32 $_scs_section_size  }
0xa1: {  	s8 =	simm.s32 $_size__tile_overlayer_lowered;
	s9 =	simm.s32 $_tile_overlayer_lowered  }
0xa2: {  	s22 =	simm.s32 $0x1BFF;
	s21 =	sshll.u32 s9, $0x1;
	s6 =	sadd.s32 s7, s19  }
0xa3: {  	s10 =	simm.s32 $0x0;
	s20 =	sshll.u32 s8, $0x1;
	s8 =	sadd.s32 s21, s6  }
0xa4: {  	[timem:s10], [sflag:s22] =	dma.local [hbm:s8], s20  }
0xa5: {  	_ =	swait.ge [sflag:s22], s20  }
0xa6: {  	s7 =	ssub.s32 $0x0, s20;
	[sflag:s22] =	ssyncset.done $0x0  }
0xa7: {  	[sflag:s22] =	ssyncadd.s32 s7;
	_ =	sdelay $0x1  }
0xa8: {  	s23 =	simm.s32 $0x1B8B  }
0xa9: {  	_ =	swait.ge [sflag:s23], $0x1  }
0xaa: {  	[sflag:s23] =	ssyncset.done $0x0  }
0xab: {  	s25 =	simm.s32 $0x1B8E;
	s24 =	sld [smem:$0x3FFE];
	[sflag:s23] =	ssyncadd.s32 $0xFFFFFFFF  }
0xac: {  	s26 =	simm.s32 $execute0_lowered;
	[smem:$0x3FD2] =	sst s25  }
0xad: {  	s8 =	sshll.u32 s26, $0x1;
	_ =	strace $0x80000046;
	[dreg:$0x1] =	wrdreg $0xFFFFFFFF  }
0xae: {  	s28 =	simm.s32 $_size_execute0_lowered;
	s6 =	sadd.s32 s6, s8;
	[dreg:$0x0] =	wrdreg $0x0  }
0xaf: {  	s8 =	sshll.u32 s28, $0x1;
	[dreg:$0x2] =	wrdreg s6  }
0xb0: {  	[dreg:$0x3] =	wrdreg s8  }
0xb1: {  	[dreg:$0x4] =	wrdreg $0xC0  }
0xb2: {  	_ =	task [dreg:s10], $0x5FFFF  }
0xb3: {  	[dreg:$0x1] =	wrdreg $0xFFFFFFFF  }
0xb4: {  	[dreg:$0x0] =	wrdreg $0x60  }
0xb5: {  	[dreg:$0x2] =	wrdreg s15  }
0xb6: {  	[dreg:$0x3] =	wrdreg s4  }
0xb7: {  	[dreg:$0x4] =	wrdreg s24  }
0xb8: {  	[dreg:$0x5] =	wrdreg s16  }
0xb9: {  	[dreg:$0x6] =	wrdreg s17  }
0xba: {  	[dreg:$0x7] =	wrdreg $0x9  }
0xbb: {  	_ =	task.clear_ibuf [dreg:s10], $0x8FFFF;
	_ =	strace $0x90000046  }
0xbc: {  	s29 =	simm.s32 $0x9;
	_ =	strace $0x80000048  }
0xbd: {  	_ =	swait.ge [sflag:s29], $0x1  }
0xbe: {  	[sflag:s29] =	ssyncadd.s32 $0xFFFFFFFF  }
0xbf: {  	_ =	strace $0x90000048  }
0xc0: {  	_ =	sfence  }
0xc1: {  	s30 =	sld [smem:$0x0];
	_ =	sdelay $0x2  }
0xc2: {  	s31 =	sshll.u32 s1, $0xD;
	s1 =	sshrl.u32 s1, $0x2  }
0xc3: {  	s3 =	sand.u32 $0x4000, s31;
	s1 =	sadd.s32 s1, s30  }
0xc4: {  	s0 =	sor.u32 s3, s0;
	s1 =	sshll.u32 s1, $0x11  }
0xc5: {  	s0 =	sor.u32 s1, s0  }
0xc6: {  	s0 =	sadd.s32 $0x8F2B, s0  }
0xc7: {  	[sflag:s0] =	ssyncadd.remote.s32 $0x1  }
0xc8: {  	_ =	sfence.sel $0xFFFF  }
0xc9: {  	[dreg:$0x0] =	wrdreg $0xFFFFFFFF;
	(pc) =	sbr.abs _section_cstart, $3  }
0xca: {  	[dreg:$0x1] =	wrdreg $0xFFFFFFFF  }
0xcb: {  	_ =	task.clear_ibuf [dreg:s10], $0x2FFFF;
	_ =	strace $0x9FFFFFFF  }
0xcc: {  	(tm) =	ssettm $0x7FFFFFFF  }
0xcd: {  	_ =	shalt  }
tec
execute0_lowered:
.L_overlay_start_1:
0x0: {  	(tag) =	ssettag $0x1  }
0x1: {  	s0 =	rddreg [dreg:$0x0]  }
0x2: {  	s1 =	rddreg [dreg:$0x1]  }
0x3: {  	s2 =	rddreg [dreg:$0x2]  }
0x4: {  	s5 =	rddreg [dreg:$0x3]  }
0x5: {  	s6 =	rddreg [dreg:$0x4]  }
0x6: {  	s3 =	srdreg.scid;
	s16 =	stileid.u32;
	s18 =	simm.s32 $0x3  }
0x7: {  	s20 =	simm.s32 $0x2000;
	s21 =	simm.s32 $0x9800;
	s15 =	smul.u32 $0x180000, s16  }
0x8: {  	s19 =	simm.s32 $0xF800;
	s17 =	simm.s32 $0x1B800;
	s26 =	smul.u32 $0x30000, s16  }
0x9: {  	s9 =	sand.u32 $0x1, s3;
	s3 =	simm.s32 $0x0;
	s29 =	smul.u32 $0x6000, s16  }
0xa: {  	s7 =	sshll.u32 s16, $0x5;
	s4 =	sshll.u32 s9, $0x9;
	s14 =	smul.u32 $0x300000, s9  }
0xb: {  	[smem:$0x7FF] =	sst s3;
	s10 =	ssub.s32 $0x2, s9;
	s13 =	smul.u32 $0x1800000, s9  }
0xc: {  	s9 =	smul.u32 $0x60000, s9;
	s7 =	sor.u32 s7, s4;
	_ =	strace $0x80000047  }
0xd: {  	s4 =	sadd.s32 $0x1200, s2;
	s11 =	sshrl.u32 s10, $0x1;
	s8 =	sshll.u32 s7, $0x4  }
0xe: {  	s12 =	ssub.s32 s10, s11;
	s23 =	smul.u32 $0x1800, s7;
	s7 =	sadd.s32 $0x100, s1  }
0xf: {  	s11 =	sadd.s32 $0x1400, s2;
	s28 =	sadd.s32 s14, s5;
	s15 =	sadd.s32 s15, s13  }
0x10: {  	s6 =	sadd.s32 s9, s6;
	s14 =	sadd.s32 s14, s0;
	s9 =	simm.s32 $0x1A000  }
0x11: {  	s8 =	sadd.s32 s8, s2;
	s25 =	smax.u32 s12, $0x1;
	s13 =	sadd.s32 s26, s28  }
0x12: {  	s15 =	sor.u32 $0x13800, s15;
	s6 =	sadd.s32 s29, s6;
	s12 =	simm.s32 $0x10800  }
0x13: {  	s22 =	sadd.s32 $0xC5400, s8;
	s24 =	sadd.s32 $0xC1200, s8;
	[dreg:$0x9] =	wrdreg s25  }
0x14: {  	s8 =	sadd.s32 $0x200, s1;
	s10 =	sadd.s32 s23, s0;
	[dreg:$0xa] =	wrdreg s6  }
0x15: {  	s30 =	sshrl.u32 s15, $0x3;
	s6 =	simm.s32 $0x11000;
	[dreg:$0x6] =	wrdreg s22  }
0x16: {  	s23 =	simm.s32 $0x1C800;
	s25 =	simm.s32 $0x2;
	[dreg:$0x7] =	wrdreg s24  }
.Ltmp0:
0x17: {  	s10 =	sadd.s32 $0xF00, s10;
	s15 =	sadd.s32 s30, s5;
	(pc) =	sbr.rel .LBB2_1-.Ltmp0, $4  }
0x18: {  	s16 =	sadd.s32 s30, s0;
	s5 =	simm.s32 $0x10000;
	s22 =	simm.s32 $0x1C000  }
0x19: {  	v2 =	vlaneseq.u32;
	[dreg:$0x8] =	wrdreg s10;
	s10 =	sadd.s32 $0x1300, s2;
	s2 =	sadd.s32 s26, s14  }
0x1a: {  	vm0 =	vmmov $0xffff;
	v1 =	vshrl.u32 v2, $0x3;
	s24 =	simm.s32 $0x1;
	s14 =	simm.s32 $0x15800;
	s31 =	sadd.s32 $0x3F00, s2  }
0x1b: {  	v0 =	vand.u32 $0x7, v2;
	v2 =	vor.u32 $0x8, v2;
	v1 =	vmul.u32 $0x8, v1;
	s26 =	simm.s32 $0x0;
	s2 =	simm.s32 $0xF000;
	[dreg:$0xb] =	wrdreg s31  }
.LBB2_5:
0x1c: {  	s26 =	rddreg [dreg:$0xc]  }
0x1d: {  	s0 =	rddreg [dreg:$0x9];
	s26 =	sadd.s32 $0x1, s26  }
0x1e: {  	p0 =	sne.s32 s26, s0  }
.Ltmp1:
0x1f: {  	_ = 	snop;
	(pc) =	sbr.rel @!p0 .LBB2_6-.Ltmp1, $1  }
0x20: {  	_ =	sdelay $0x3  }
.LBB2_1:
0x21: {  	[dreg:$0xc] =	wrdreg s26  }
0x22: {  	s0 =	rddreg [dreg:$0x6]  }
0x23: {  	[tilespmem:s3], [sflag:$0x3] =	stream.linear.gather [hbm4b:s0+s3], $0x1000, $0x38;
	[tilespmem:$0x1D000] =	vst v63  }
0x24: {  	_ =	swait.ge [sflag:s18], $0x1000  }
0x25: {  	[sflag:s18] =	ssyncset.done $0x0  }
0x26: {  	s31 =	simm.s32 $0x1000;
	s26 =	rddreg [dreg:$0x7];
	[sflag:s18] =	ssyncadd.s32 $0xFFFFF000  }
0x27: {  	[tilespmem:s31], [sflag:$0x3] =	stream.linear.gather [hbm4b:s26+s3], $0x1000, $0x38;
	[tilespmem:$0x1D000] =	vst v63  }
0x28: {  	_ =	swait.ge [sflag:s18], $0x1000  }
0x29: {  	[sflag:s18] =	ssyncset.done $0x0  }
0x2a: {  	[sflag:s18] =	ssyncadd.s32 $0xFFFFF000  }
0x2b: {  	v3 =	vld [tilespmem:$0x0];
	_ =	sdelay $0x4  }
0x2c: {  	v4 =	vshrl.u32 v3, $0x3  }
0x2d: {  	v4 =	vmul.u32 $0x30, v4  }
0x2e: {  	v3 =	vand.u32 $0x7, v3  }
0x2f: {  	v3 =	vor.u32 v3, v4  }
0x30: {  	v4 =	vperm.xlane v3, v0;
	_ =	sdelay $0x1  }
0x31: {  	v4 =	vadd.s32 v1, v4;
	_ =	sdelay $0x3  }
0x32: {  	v3 =	vperm.xlane v3, v2  }
0x33: {  	[tilespmem:s20], [sflag:$0x1] =	stream.indirect_vreg.gather [hbm4b:s1+s3], $0x80, v4, vm0, $0xb8;
	[tilespmem:$0x1D000] =	vst v63  }
0x34: {  	s31 =	simm.s32 $0x2800;
	v3 =	vadd.s32 v1, v3  }
0x35: {  	[tilespmem:s31], [sflag:$0x1] =	stream.indirect_vreg.gather [hbm4b:s7+s3], $0x80, v4, vm0, $0xb8;
	[tilespmem:$0x1D000] =	vst v63  }
0x36: {  	s26 =	simm.s32 $0x3000  }
0x37: {  	[tilespmem:s26], [sflag:$0x1] =	stream.indirect_vreg.gather [hbm4b:s8+s3], $0x80, v4, vm0, $0xb8;
	[tilespmem:$0x1D000] =	vst v63  }
0x38: {  	s31 =	simm.s32 $0x3800  }
0x39: {  	[tilespmem:s31], [sflag:$0x1] =	stream.indirect_vreg.gather [hbm4b:s1+s3], $0x80, v3, vm0, $0xb8;
	[tilespmem:$0x1D000] =	vst v63  }
0x3a: {  	s26 =	simm.s32 $0x4000  }
0x3b: {  	[tilespmem:s26], [sflag:$0x1] =	stream.indirect_vreg.gather [hbm4b:s7+s3], $0x80, v3, vm0, $0xb8;
	[tilespmem:$0x1D000] =	vst v63  }
0x3c: {  	s31 =	simm.s32 $0x4800  }
0x3d: {  	[tilespmem:s31], [sflag:$0x1] =	stream.indirect_vreg.gather [hbm4b:s8+s3], $0x80, v3, vm0, $0xb8;
	[tilespmem:$0x1D000] =	vst v63  }
0x3e: {  	v3 =	vld [tilespmem:$0x10];
	_ =	sdelay $0x4  }
0x3f: {  	v61 =	vshrl.u32 v3, $0x3  }
0x40: {  	v4 =	vmul.u32 $0x30, v61  }
0x41: {  	v3 =	vand.u32 $0x7, v3  }
0x42: {  	v3 =	vor.u32 v3, v4  }
0x43: {  	v4 =	vperm.xlane v3, v0;
	_ =	sdelay $0x1  }
0x44: {  	v4 =	vadd.s32 v1, v4;
	_ =	sdelay $0x3  }
0x45: {  	s26 =	simm.s32 $0x5000;
	v3 =	vperm.xlane v3, v2  }
0x46: {  	[tilespmem:s26], [sflag:$0x1] =	stream.indirect_vreg.gather [hbm4b:s1+s3], $0x80, v4, vm0, $0xb8;
	[tilespmem:$0x1D000] =	vst v63  }
0x47: {  	s31 =	simm.s32 $0x5800;
	v3 =	vadd.s32 v1, v3  }
0x48: {  	[tilespmem:s31], [sflag:$0x1] =	stream.indirect_vreg.gather [hbm4b:s7+s3], $0x80, v4, vm0, $0xb8;
	[tilespmem:$0x1D000] =	vst v63  }
0x49: {  	s26 =	simm.s32 $0x6000  }
0x4a: {  	[tilespmem:s26], [sflag:$0x1] =	stream.indirect_vreg.gather [hbm4b:s8+s3], $0x80, v4, vm0, $0xb8;
	[tilespmem:$0x1D000] =	vst v63  }
0x4b: {  	s31 =	simm.s32 $0x6800  }
0x4c: {  	[tilespmem:s31], [sflag:$0x1] =	stream.indirect_vreg.gather [hbm4b:s1+s3], $0x80, v3, vm0, $0xb8;
	[tilespmem:$0x1D000] =	vst v63  }
0x4d: {  	s26 =	simm.s32 $0x7000  }
0x4e: {  	[tilespmem:s26], [sflag:$0x1] =	stream.indirect_vreg.gather [hbm4b:s7+s3], $0x80, v3, vm0, $0xb8;
	[tilespmem:$0x1D000] =	vst v63  }
0x4f: {  	s31 =	simm.s32 $0x7800  }
0x50: {  	[tilespmem:s31], [sflag:$0x1] =	stream.indirect_vreg.gather [hbm4b:s8+s3], $0x80, v3, vm0, $0xb8;
	[tilespmem:$0x1D000] =	vst v63  }
0x51: {  	v3 =	vld.msk [tilespmem:$0x20], $0xff;
	_ =	sdelay $0x4  }
0x52: {  	v62 =	vshrl.u32 v3, $0x3  }
0x53: {  	v4 =	vmul.u32 $0x30, v62  }
0x54: {  	v3 =	vand.u32 $0x7, v3  }
0x55: {  	v3 =	vor.u32 v3, v4  }
0x56: {  	v3 =	vperm.xlane v3, v0;
	_ =	sdelay $0x1  }
0x57: {  	v3 =	vadd.s32 v1, v3;
	_ =	sdelay $0x3  }
0x58: {  	s26 =	simm.s32 $0x8000  }
0x59: {  	[tilespmem:s26], [sflag:$0x1] =	stream.indirect_vreg.gather [hbm4b:s1+s3], $0x80, v3, vm0, $0xb8;
	[tilespmem:$0x1D000] =	vst v63  }
0x5a: {  	s31 =	simm.s32 $0x8800  }
0x5b: {  	[tilespmem:s31], [sflag:$0x1] =	stream.indirect_vreg.gather [hbm4b:s7+s3], $0x80, v3, vm0, $0xb8;
	[tilespmem:$0x1D000] =	vst v63  }
0x5c: {  	s26 =	simm.s32 $0x9000  }
0x5d: {  	[tilespmem:s26], [sflag:$0x1] =	stream.indirect_vreg.gather [hbm4b:s8+s3], $0x80, v3, vm0, $0xb8;
	[tilespmem:$0x1D000] =	vst v63  }
0x5e: {  	s31 =	rddreg [dreg:$0x8]  }
0x5f: {  	[tilespmem:s6], [sflag:$0x1] =	stream.linear.gather [hbm4b:s31+s3], $0x4800, $0x38;
	[tilespmem:$0x1D000] =	vst v63  }
0x60: {  	v3 =	vld.msk [tilespmem:$0x1000], $0xff;
	_ =	sdelay $0x4  }
0x61: {  	v63 =	vshrl.u32 v3, $0x3  }
0x62: {  	v4 =	vmul.u32 $0x30, v63  }
0x63: {  	v3 =	vand.u32 $0x7, v3  }
0x64: {  	v3 =	vor.u32 v3, v4  }
0x65: {  	v3 =	vperm.xlane v3, v0;
	_ =	sdelay $0x1  }
0x66: {  	v3 =	vadd.s32 v1, v3;
	_ =	sdelay $0x4  }
0x67: {  	[tilespmem:s9], [sflag:$0x1] =	stream.indirect_vreg.gather [hbm4b:s4+s3], $0x80, v3, vm0, $0xb8;
	[tilespmem:$0x1D000] =	vst v63  }
.Ltmp2:
0x68: {  	_ = 	snop;
	(pc) =	sbr.rel .LBB2_2-.Ltmp2, $4  }
0x69: {  	s28 =	simm.s32 $0x1100;
	s30 =	simm.s32 $0x0;
	s26 =	simm.s32 $0x1A800  }
0x6a: {  	[tilespmem:s26], [sflag:$0x1] =	stream.indirect_vreg.gather [hbm4b:s10+s3], $0x80, v3, vm0, $0xb8;
	[tilespmem:$0x1D000] =	vst v63  }
0x6b: {  	s29 =	rddreg [dreg:$0xa];
	s31 =	simm.s32 $0x1B000;
	s26 =	simm.s32 $0x120  }
0x6c: {  	[tilespmem:s31], [sflag:$0x1] =	stream.indirect_vreg.gather [hbm4b:s11+s3], $0x80, v3, vm0, $0xb8;
	[tilespmem:$0x1D000] =	vst v63  }
.LBB2_4:
0x6d: {  	_ =	swait.ge [sflag:s25], $0x7800  }
0x6e: {  	[sflag:s25] =	ssyncset.done $0x0  }
0x6f: {  	[sflag:s25] =	ssyncadd.s32 $0xFFFF8800  }
0x70: {  	_ =	swait.ge [sflag:s25], $0x4800  }
0x71: {  	[sflag:s25] =	ssyncset.done $0x0  }
0x72: {  	[sflag:s25] =	ssyncadd.s32 $0xFFFFB800  }
0x73: {  	_ =	swait.ge [sflag:s25], $0x1800  }
0x74: {  	[sflag:s25] =	ssyncset.done $0x0  }
0x75: {  	s0 =	sadd.s32 $0x1800, s31;
	[sflag:s25] =	ssyncadd.s32 $0xFFFFE800  }
0x76: {  	[hbm4b:s0+s3] =	stream.linear.scatter [tilespmem:s21], [sflag:$0x3], $0x7800, $0x38;
	[tilespmem:$0x1D000] =	vst v63  }
0x77: {  	_ =	swait.ge [sflag:s18], $0x7800  }
0x78: {  	[sflag:s18] =	ssyncset.done $0x0  }
0x79: {  	s31 =	sadd.s32 s30, s15;
	[sflag:s18] =	ssyncadd.s32 $0xFFFF8800  }
0x7a: {  	[hbm4b:s31+s3] =	stream.linear.scatter [tilespmem:s14], [sflag:$0x3], $0x4800, $0x38;
	[tilespmem:$0x1D000] =	vst v63  }
0x7b: {  	s30 =	sadd.s32 $0x3000, s30;
	_ =	swait.ge [sflag:s18], $0x4800  }
0x7c: {  	p0 =	sne.s32 s30, $0x30000;
	[sflag:s18] =	ssyncset.done $0x0  }
.Ltmp3:
0x7d: {  	s31 =	sadd.s32 $0x300, s29;
	[sflag:s18] =	ssyncadd.s32 $0xFFFFB800;
	(pc) =	sbr.rel @!p0 .LBB2_5-.Ltmp3, $4  }
0x7e: {  	[hbm4b:s31+s3] =	stream.linear.scatter [tilespmem:s17], [sflag:$0x3], $0x1800, $0x38;
	[tilespmem:$0x1D000] =	vst v63  }
0x7f: {  	_ =	swait.ge [sflag:s18], $0x1800  }
0x80: {  	s26 =	sadd.s32 $0x100, s26;
	[sflag:s18] =	ssyncset.done $0x0  }
0x81: {  	s28 =	sadd.s32 $0x100, s28;
	s29 =	sadd.s32 $0x600, s29;
	[sflag:s18] =	ssyncadd.s32 $0xFFFFE800  }
.LBB2_2:
0x82: {  	v3 =	vld [tilespmem:s26+$0xFFFFFF60];
	_ =	sdelay $0x4  }
0x83: {  	v4 =	vshrl.u32 v3, $0x3  }
0x84: {  	v4 =	vmul.u32 $0x30, v4  }
0x85: {  	v3 =	vand.u32 $0x7, v3  }
0x86: {  	v3 =	vor.u32 v3, v4  }
0x87: {  	v4 =	vperm.xlane v3, v0;
	_ =	sdelay $0x1  }
0x88: {  	v4 =	vadd.s32 v1, v4;
	_ =	sdelay $0x3  }
0x89: {  	v3 =	vperm.xlane v3, v2  }
0x8a: {  	[tilespmem:s21], [sflag:$0x2] =	stream.indirect_vreg.gather [hbm4b:s1+s3], $0x80, v4, vm0, $0xb8;
	[tilespmem:$0x1D000] =	vst v63  }
0x8b: {  	s0 =	simm.s32 $0xA000;
	v3 =	vadd.s32 v1, v3  }
0x8c: {  	[tilespmem:s0], [sflag:$0x2] =	stream.indirect_vreg.gather [hbm4b:s7+s3], $0x80, v4, vm0, $0xb8;
	[tilespmem:$0x1D000] =	vst v63  }
0x8d: {  	s0 =	simm.s32 $0xA800  }
0x8e: {  	[tilespmem:s0], [sflag:$0x2] =	stream.indirect_vreg.gather [hbm4b:s8+s3], $0x80, v4, vm0, $0xb8;
	[tilespmem:$0x1D000] =	vst v63  }
0x8f: {  	s0 =	simm.s32 $0xB000  }
0x90: {  	[tilespmem:s0], [sflag:$0x2] =	stream.indirect_vreg.gather [hbm4b:s1+s3], $0x80, v3, vm0, $0xb8;
	[tilespmem:$0x1D000] =	vst v63  }
0x91: {  	s0 =	simm.s32 $0xB800  }
0x92: {  	[tilespmem:s0], [sflag:$0x2] =	stream.indirect_vreg.gather [hbm4b:s7+s3], $0x80, v3, vm0, $0xb8;
	[tilespmem:$0x1D000] =	vst v63  }
0x93: {  	s0 =	simm.s32 $0xC000  }
0x94: {  	[tilespmem:s0], [sflag:$0x2] =	stream.indirect_vreg.gather [hbm4b:s8+s3], $0x80, v3, vm0, $0xb8;
	[tilespmem:$0x1D000] =	vst v63  }
0x95: {  	v3 =	vld [tilespmem:s26+$0xFFFFFF70];
	_ =	sdelay $0x4  }
0x96: {  	v61 =	vshrl.u32 v3, $0x3  }
0x97: {  	v4 =	vmul.u32 $0x30, v61  }
0x98: {  	v3 =	vand.u32 $0x7, v3  }
0x99: {  	v3 =	vor.u32 v3, v4  }
0x9a: {  	v4 =	vperm.xlane v3, v0;
	_ =	sdelay $0x1  }
0x9b: {  	v4 =	vadd.s32 v1, v4;
	_ =	sdelay $0x3  }
0x9c: {  	s0 =	simm.s32 $0xC800;
	v3 =	vperm.xlane v3, v2  }
0x9d: {  	[tilespmem:s0], [sflag:$0x2] =	stream.indirect_vreg.gather [hbm4b:s1+s3], $0x80, v4, vm0, $0xb8;
	[tilespmem:$0x1D000] =	vst v63  }
0x9e: {  	v3 =	vadd.s32 v1, v3;
	s0 =	simm.s32 $0xD000  }
0x9f: {  	[tilespmem:s0], [sflag:$0x2] =	stream.indirect_vreg.gather [hbm4b:s7+s3], $0x80, v4, vm0, $0xb8;
	[tilespmem:$0x1D000] =	vst v63  }
0xa0: {  	s0 =	simm.s32 $0xD800  }
0xa1: {  	[tilespmem:s0], [sflag:$0x2] =	stream.indirect_vreg.gather [hbm4b:s8+s3], $0x80, v4, vm0, $0xb8;
	[tilespmem:$0x1D000] =	vst v63  }
0xa2: {  	s0 =	simm.s32 $0xE000  }
0xa3: {  	[tilespmem:s0], [sflag:$0x2] =	stream.indirect_vreg.gather [hbm4b:s1+s3], $0x80, v3, vm0, $0xb8;
	[tilespmem:$0x1D000] =	vst v63  }
0xa4: {  	s0 =	simm.s32 $0xE800  }
0xa5: {  	[tilespmem:s0], [sflag:$0x2] =	stream.indirect_vreg.gather [hbm4b:s7+s3], $0x80, v3, vm0, $0xb8;
	[tilespmem:$0x1D000] =	vst v63  }
0xa6: {  	_ = 	snop  }
0xa7: {  	[tilespmem:s2], [sflag:$0x2] =	stream.indirect_vreg.gather [hbm4b:s8+s3], $0x80, v3, vm0, $0xb8;
	[tilespmem:$0x1D000] =	vst v63  }
0xa8: {  	v3 =	vld.msk [tilespmem:s26+$0xFFFFFF80], $0xff;
	_ =	sdelay $0x4  }
0xa9: {  	v62 =	vshrl.u32 v3, $0x3  }
0xaa: {  	v4 =	vmul.u32 $0x30, v62  }
0xab: {  	v3 =	vand.u32 $0x7, v3  }
0xac: {  	v3 =	vor.u32 v3, v4  }
0xad: {  	v3 =	vperm.xlane v3, v0;
	_ =	sdelay $0x1  }
0xae: {  	v3 =	vadd.s32 v1, v3;
	_ =	sdelay $0x4  }
0xaf: {  	[tilespmem:s19], [sflag:$0x2] =	stream.indirect_vreg.gather [hbm4b:s1+s3], $0x80, v3, vm0, $0xb8;
	[tilespmem:$0x1D000] =	vst v63  }
0xb0: {  	_ = 	snop  }
0xb1: {  	[tilespmem:s5], [sflag:$0x2] =	stream.indirect_vreg.gather [hbm4b:s7+s3], $0x80, v3, vm0, $0xb8;
	[tilespmem:$0x1D000] =	vst v63  }
0xb2: {  	_ = 	snop  }
0xb3: {  	[tilespmem:s12], [sflag:$0x2] =	stream.indirect_vreg.gather [hbm4b:s8+s3], $0x80, v3, vm0, $0xb8;
	[tilespmem:$0x1D000] =	vst v63  }
0xb4: {  	s31 =	sadd.s32 s30, s16  }
0xb5: {  	[tilespmem:s14], [sflag:$0x2] =	stream.linear.gather [hbm4b:s31+s3], $0x4800, $0x38;
	[tilespmem:$0x1D000] =	vst v63  }
0xb6: {  	v3 =	vld.msk [tilespmem:s28+$0xFFFFFF80], $0xff;
	_ =	sdelay $0x4  }
0xb7: {  	v63 =	vshrl.u32 v3, $0x3  }
0xb8: {  	v4 =	vmul.u32 $0x30, v63  }
0xb9: {  	v3 =	vand.u32 $0x7, v3  }
0xba: {  	v3 =	vor.u32 v3, v4  }
0xbb: {  	v3 =	vperm.xlane v3, v0;
	_ =	sdelay $0x1  }
0xbc: {  	v3 =	vadd.s32 v1, v3;
	_ =	sdelay $0x4  }
0xbd: {  	[tilespmem:s17], [sflag:$0x2] =	stream.indirect_vreg.gather [hbm4b:s4+s3], $0x80, v3, vm0, $0xb8;
	[tilespmem:$0x1D000] =	vst v63  }
0xbe: {  	_ = 	snop  }
0xbf: {  	[tilespmem:s22], [sflag:$0x2] =	stream.indirect_vreg.gather [hbm4b:s10+s3], $0x80, v3, vm0, $0xb8;
	[tilespmem:$0x1D000] =	vst v63  }
0xc0: {  	_ = 	snop  }
0xc1: {  	[tilespmem:s23], [sflag:$0x2] =	stream.indirect_vreg.gather [hbm4b:s11+s3], $0x80, v3, vm0, $0xb8;
	[tilespmem:$0x1D000] =	vst v63  }
0xc2: {  	_ =	swait.ge [sflag:s24], $0x7800  }
0xc3: {  	[sflag:s24] =	ssyncset.done $0x0  }
0xc4: {  	[sflag:s24] =	ssyncadd.s32 $0xFFFF8800  }
0xc5: {  	_ =	swait.ge [sflag:s24], $0x4800  }
0xc6: {  	[sflag:s24] =	ssyncset.done $0x0  }
0xc7: {  	[sflag:s24] =	ssyncadd.s32 $0xFFFFB800  }
0xc8: {  	_ =	swait.ge [sflag:s24], $0x1800  }
0xc9: {  	[sflag:s24] =	ssyncset.done $0x0  }
0xca: {  	s31 =	sadd.s32 s30, s13;
	[sflag:s24] =	ssyncadd.s32 $0xFFFFE800  }
0xcb: {  	[hbm4b:s31+s3] =	stream.linear.scatter [tilespmem:s20], [sflag:$0x3], $0x7800, $0x38;
	[tilespmem:$0x1D000] =	vst v63  }
0xcc: {  	_ =	swait.ge [sflag:s18], $0x7800  }
0xcd: {  	[sflag:s18] =	ssyncset.done $0x0  }
0xce: {  	s0 =	sadd.s32 $0xF00, s31;
	[sflag:s18] =	ssyncadd.s32 $0xFFFF8800  }
0xcf: {  	[hbm4b:s0+s3] =	stream.linear.scatter [tilespmem:s6], [sflag:$0x3], $0x4800, $0x38;
	[tilespmem:$0x1D000] =	vst v63  }
0xd0: {  	_ =	swait.ge [sflag:s18], $0x4800  }
0xd1: {  	p0 =	seq.s32 s30, $0x2D000;
	[sflag:s18] =	ssyncset.done $0x0  }
.Ltmp4:
0xd2: {  	[sflag:s18] =	ssyncadd.s32 $0xFFFFB800;
	(pc) =	sbr.rel @p0 .LBB2_4-.Ltmp4, $4  }
0xd3: {  	[hbm4b:s29+s3] =	stream.linear.scatter [tilespmem:s9], [sflag:$0x3], $0x1800, $0x38;
	[tilespmem:$0x1D000] =	vst v63  }
0xd4: {  	_ =	swait.ge [sflag:s18], $0x1800  }
0xd5: {  	[sflag:s18] =	ssyncset.done $0x0  }
0xd6: {  	[sflag:s18] =	ssyncadd.s32 $0xFFFFE800  }
0xd7: {  	v3 =	vld [tilespmem:s26+$0xFFFFFFE0];
	_ =	sdelay $0x4  }
0xd8: {  	v4 =	vshrl.u32 v3, $0x3  }
0xd9: {  	v4 =	vmul.u32 $0x30, v4  }
0xda: {  	v3 =	vand.u32 $0x7, v3  }
0xdb: {  	v3 =	vor.u32 v3, v4  }
0xdc: {  	v4 =	vperm.xlane v3, v0;
	_ =	sdelay $0x1  }
0xdd: {  	v4 =	vadd.s32 v1, v4;
	_ =	sdelay $0x3  }
0xde: {  	v3 =	vperm.xlane v3, v2  }
0xdf: {  	[tilespmem:s20], [sflag:$0x1] =	stream.indirect_vreg.gather [hbm4b:s1+s3], $0x80, v4, vm0, $0xb8;
	[tilespmem:$0x1D000] =	vst v63  }
0xe0: {  	s0 =	simm.s32 $0x2800;
	v3 =	vadd.s32 v1, v3  }
0xe1: {  	[tilespmem:s0], [sflag:$0x1] =	stream.indirect_vreg.gather [hbm4b:s7+s3], $0x80, v4, vm0, $0xb8;
	[tilespmem:$0x1D000] =	vst v63  }
0xe2: {  	s0 =	simm.s32 $0x3000  }
0xe3: {  	[tilespmem:s0], [sflag:$0x1] =	stream.indirect_vreg.gather [hbm4b:s8+s3], $0x80, v4, vm0, $0xb8;
	[tilespmem:$0x1D000] =	vst v63  }
0xe4: {  	s0 =	simm.s32 $0x3800  }
0xe5: {  	[tilespmem:s0], [sflag:$0x1] =	stream.indirect_vreg.gather [hbm4b:s1+s3], $0x80, v3, vm0, $0xb8;
	[tilespmem:$0x1D000] =	vst v63  }
0xe6: {  	s0 =	simm.s32 $0x4000  }
0xe7: {  	[tilespmem:s0], [sflag:$0x1] =	stream.indirect_vreg.gather [hbm4b:s7+s3], $0x80, v3, vm0, $0xb8;
	[tilespmem:$0x1D000] =	vst v63  }
0xe8: {  	s0 =	simm.s32 $0x4800  }
0xe9: {  	[tilespmem:s0], [sflag:$0x1] =	stream.indirect_vreg.gather [hbm4b:s8+s3], $0x80, v3, vm0, $0xb8;
	[tilespmem:$0x1D000] =	vst v63  }
0xea: {  	v3 =	vld [tilespmem:s26+$0xFFFFFFF0];
	_ =	sdelay $0x4  }
0xeb: {  	v61 =	vshrl.u32 v3, $0x3  }
0xec: {  	v4 =	vmul.u32 $0x30, v61  }
0xed: {  	v3 =	vand.u32 $0x7, v3  }
0xee: {  	v3 =	vor.u32 v3, v4  }
0xef: {  	v4 =	vperm.xlane v3, v0;
	_ =	sdelay $0x1  }
0xf0: {  	v4 =	vadd.s32 v1, v4;
	_ =	sdelay $0x3  }
0xf1: {  	s0 =	simm.s32 $0x5000;
	v3 =	vperm.xlane v3, v2  }
0xf2: {  	[tilespmem:s0], [sflag:$0x1] =	stream.indirect_vreg.gather [hbm4b:s1+s3], $0x80, v4, vm0, $0xb8;
	[tilespmem:$0x1D000] =	vst v63  }
0xf3: {  	v3 =	vadd.s32 v1, v3;
	s0 =	simm.s32 $0x5800  }
0xf4: {  	[tilespmem:s0], [sflag:$0x1] =	stream.indirect_vreg.gather [hbm4b:s7+s3], $0x80, v4, vm0, $0xb8;
	[tilespmem:$0x1D000] =	vst v63  }
0xf5: {  	s0 =	simm.s32 $0x6000  }
0xf6: {  	[tilespmem:s0], [sflag:$0x1] =	stream.indirect_vreg.gather [hbm4b:s8+s3], $0x80, v4, vm0, $0xb8;
	[tilespmem:$0x1D000] =	vst v63  }
0xf7: {  	s0 =	simm.s32 $0x6800  }
0xf8: {  	[tilespmem:s0], [sflag:$0x1] =	stream.indirect_vreg.gather [hbm4b:s1+s3], $0x80, v3, vm0, $0xb8;
	[tilespmem:$0x1D000] =	vst v63  }
0xf9: {  	s0 =	simm.s32 $0x7000  }
0xfa: {  	[tilespmem:s0], [sflag:$0x1] =	stream.indirect_vreg.gather [hbm4b:s7+s3], $0x80, v3, vm0, $0xb8;
	[tilespmem:$0x1D000] =	vst v63  }
0xfb: {  	s0 =	simm.s32 $0x7800  }
0xfc: {  	[tilespmem:s0], [sflag:$0x1] =	stream.indirect_vreg.gather [hbm4b:s8+s3], $0x80, v3, vm0, $0xb8;
	[tilespmem:$0x1D000] =	vst v63  }
0xfd: {  	v3 =	vld.msk [tilespmem:s26+$0x0], $0xff;
	_ =	sdelay $0x4  }
0xfe: {  	v62 =	vshrl.u32 v3, $0x3  }
0xff: {  	v4 =	vmul.u32 $0x30, v62  }
0x100: {  	v3 =	vand.u32 $0x7, v3  }
0x101: {  	v3 =	vor.u32 v3, v4  }
0x102: {  	v3 =	vperm.xlane v3, v0;
	_ =	sdelay $0x1  }
0x103: {  	v3 =	vadd.s32 v1, v3;
	_ =	sdelay $0x3  }
0x104: {  	s0 =	simm.s32 $0x8000  }
0x105: {  	[tilespmem:s0], [sflag:$0x1] =	stream.indirect_vreg.gather [hbm4b:s1+s3], $0x80, v3, vm0, $0xb8;
	[tilespmem:$0x1D000] =	vst v63  }
0x106: {  	s0 =	simm.s32 $0x8800  }
0x107: {  	[tilespmem:s0], [sflag:$0x1] =	stream.indirect_vreg.gather [hbm4b:s7+s3], $0x80, v3, vm0, $0xb8;
	[tilespmem:$0x1D000] =	vst v63  }
0x108: {  	s0 =	simm.s32 $0x9000  }
0x109: {  	[tilespmem:s0], [sflag:$0x1] =	stream.indirect_vreg.gather [hbm4b:s8+s3], $0x80, v3, vm0, $0xb8;
	[tilespmem:$0x1D000] =	vst v63  }
0x10a: {  	s0 =	rddreg [dreg:$0xb]  }
0x10b: {  	s0 =	sadd.s32 s30, s0  }
0x10c: {  	[tilespmem:s6], [sflag:$0x1] =	stream.linear.gather [hbm4b:s0+s3], $0x4800, $0x38;
	[tilespmem:$0x1D000] =	vst v63  }
0x10d: {  	v3 =	vld.msk [tilespmem:s28+$0x0], $0xff;
	_ =	sdelay $0x4  }
0x10e: {  	v63 =	vshrl.u32 v3, $0x3  }
0x10f: {  	v4 =	vmul.u32 $0x30, v63  }
0x110: {  	v3 =	vand.u32 $0x7, v3  }
0x111: {  	v3 =	vor.u32 v3, v4  }
0x112: {  	v3 =	vperm.xlane v3, v0;
	_ =	sdelay $0x1  }
0x113: {  	v3 =	vadd.s32 v1, v3;
	_ =	sdelay $0x4  }
0x114: {  	[tilespmem:s9], [sflag:$0x1] =	stream.indirect_vreg.gather [hbm4b:s4+s3], $0x80, v3, vm0, $0xb8;
	[tilespmem:$0x1D000] =	vst v63  }
.Ltmp5:
0x115: {  	_ = 	snop;
	(pc) =	sbr.rel .LBB2_4-.Ltmp5, $4  }
0x116: {  	s0 =	simm.s32 $0x1A800  }
0x117: {  	[tilespmem:s0], [sflag:$0x1] =	stream.indirect_vreg.gather [hbm4b:s10+s3], $0x80, v3, vm0, $0xb8;
	[tilespmem:$0x1D000] =	vst v63  }
0x118: {  	s0 =	simm.s32 $0x1B000  }
0x119: {  	[tilespmem:s0], [sflag:$0x1] =	stream.indirect_vreg.gather [hbm4b:s11+s3], $0x80, v3, vm0, $0xb8;
	[tilespmem:$0x1D000] =	vst v63  }
.LBB2_6:
0x11a: {  	_ =	sfence.sel $0x180000  }
0x11b: {  	[bflag:$0x0] =	sbarrier.arrive $0xFFFF  }
0x11c: {  	_ =	strace $0x90000047  }
0x11d: {  	s0 =	stileid.u32;
	[bflag:$0x2] =	sbarrier.arrive $0xFFFF  }
0x11e: {  	p0 =	sne.s32 s0, $0x0;
	s0 =	rddreg [dreg:$0x5]  }
0x11f: {  	s0 =	sadd.s32 @!p0 $0x100000, s0  }
0x120: {  	[sflag:s0] =	ssyncadd.tile.s32 @!p0 $0x1;
	_ =	shalt  }
.Lfunc_end2:
_tile_overlayer_lowered:
.L_overlay_start_2:
0x121: {  	(tag) =	ssettag $0x2  }
0x122: {  	s0 =	rddreg [dreg:$0x0];
	s2 =	stileid.u32  }
0x123: {  	s1 =	rddreg [dreg:$0x1];
	p0 =	sne.s32 s2, $0x0  }
0x124: {  	s3 =	rddreg [dreg:$0x2];
	[bflag:$0x3] =	sbarrier.arrive $0xFFFF;
	s2 =	simm.s32 @!p0 $0x1C03  }
0x125: {  	[timem:s3], [sflag:s2] =	dma.local @!p0 [hbm:s0], s1  }
0x126: {  	s0 =	simm.s32 @!p0 $0x3  }
0x127: {  	_ =	swait.ge @!p0 [sflag:s0], s1  }
0x128: {  	s1 =	ssub.s32 @!p0 $0x0, s1;
	[sflag:s0] =	ssyncset.done @!p0 $0x0  }
0x129: {  	[sflag:s0] =	ssyncadd.s32 @!p0 s1  }
0x12a: {  	[bflag:$0x3] =	sbarrier.arrive $0xFFFF  }
0x12b: {  	_ =	shalt  }

</sc_bundles>
